<compile_context>
chip_gen: v7x
topology: tpu7x:2x2x1
jax: 0.10.2.dev20260603
libtpu: 0.0.44.dev20260713+nightly
codegen_flags: <defaults>
</compile_context>

<pallas_src>
import functools

import jax
import jax.numpy as jnp
from jax import lax
from jax.experimental import pallas as pl
from jax.experimental.pallas import tpu as pltpu
from jax.experimental.pallas import tpu_sc as plsc

N_NODES = 10000
N_EDGES = 320000
D = 128
MLP_H = 256
EPS = 1e-5

NC = 2
NS = 16
NW = NC * NS
E_PER_TILE = N_EDGES // NW
K = 80
CHUNKS = E_PER_TILE // K
ROWS_PER_TILE = N_NODES // NS
CNT_TILES = 5
CNT_PER_TILE = N_NODES // CNT_TILES


def _sc_agg_body(compute_cnt, *refs):
    if compute_cnt:
        (h_hbm, src_hbm, dst_hbm, zf_hbm, zc_hbm,
         agg_out, cnt_out,
         src_v, dst_v, rows_v, agg_sp, cnt_sp, cnt_v, sem) = refs
    else:
        (h_hbm, src_hbm, dst_hbm, zf_hbm,
         agg_out,
         src_v, dst_v, rows_v, agg_sp, sem) = refs

    c = lax.axis_index("c")
    s = lax.axis_index("s")
    wid = c * NS + s

    pltpu.sync_copy(zf_hbm, agg_sp.at[pl.ds(s * ROWS_PER_TILE, ROWS_PER_TILE)])
    if compute_cnt:
        @pl.when(s < CNT_TILES)
        def _():
            pltpu.sync_copy(zc_hbm, cnt_v)
            pltpu.sync_copy(cnt_v, cnt_sp.at[pl.ds(s * CNT_PER_TILE, CNT_PER_TILE)])
    plsc.subcore_barrier()

    pltpu.sync_copy(src_hbm.at[wid], src_v)
    pltpu.sync_copy(dst_hbm.at[wid], dst_v)

    if compute_cnt:
        ones = jnp.ones((16,), jnp.float32)
        for i in range(K // 16):
            rows_v[0, pl.ds(i * 16, 16)] = ones

    def step(j, carry):
        pltpu.async_copy(h_hbm.at[src_v.at[j]], rows_v, sem).wait()
        pltpu.sync_copy(rows_v, agg_sp.at[dst_v.at[j]], add=True)
        return carry

    def step_cnt(j, carry):
        pltpu.sync_copy(rows_v.at[0, pl.ds(0, K)], cnt_sp.at[dst_v.at[j]], add=True)
        return carry

    if compute_cnt:
        lax.fori_loop(0, CHUNKS, step_cnt, 0)
    lax.fori_loop(0, CHUNKS, step, 0)
    plsc.subcore_barrier()

    pltpu.sync_copy(agg_sp.at[pl.ds(s * ROWS_PER_TILE, ROWS_PER_TILE)],
                    agg_out.at[c, s])
    if compute_cnt:
        @pl.when(s < CNT_TILES)
        def _():
            pltpu.sync_copy(cnt_sp.at[pl.ds(s * CNT_PER_TILE, CNT_PER_TILE)], cnt_v)
            pltpu.sync_copy(cnt_v, cnt_out.at[c, s])


def _make_sc_agg(compute_cnt):
    out_type = [jax.ShapeDtypeStruct((NC, NS, ROWS_PER_TILE, D), jnp.float32)]
    scratch = [
        pltpu.VMEM((CHUNKS, K), jnp.int32),
        pltpu.VMEM((CHUNKS, K), jnp.int32),
        pltpu.VMEM((K, D), jnp.float32),
        pltpu.VMEM_SHARED((N_NODES, D), jnp.float32),
    ]
    if compute_cnt:
        out_type.append(jax.ShapeDtypeStruct((NC, CNT_TILES, CNT_PER_TILE), jnp.float32))
        scratch.append(pltpu.VMEM_SHARED((N_NODES,), jnp.float32))
        scratch.append(pltpu.VMEM((CNT_PER_TILE,), jnp.float32))
    scratch.append(pltpu.SemaphoreType.DMA)
    mesh = plsc.VectorSubcoreMesh(core_axis_name="c", subcore_axis_name="s",
                                  num_cores=NC, num_subcores=NS)
    return pl.kernel(functools.partial(_sc_agg_body, compute_cnt),
                     out_type=tuple(out_type), mesh=mesh,
                     scratch_types=scratch)


_sc_agg_cnt = _make_sc_agg(True)
_sc_agg = _make_sc_agg(False)


def _tc_layer_body(agg_ref, cnt_ref, h_ref, wl_ref, bl_ref, wr_ref,
                   gw_ref, gb_ref, ga_ref, out_ref):
    agg = agg_ref[0] + agg_ref[1]
    cnt = jnp.maximum(cnt_ref[0] + cnt_ref[1], 1.0)
    mean = agg / cnt
    pre = (jnp.dot(mean, wl_ref[...], preferred_element_type=jnp.float32)
           + bl_ref[...]
           + jnp.dot(h_ref[...], wr_ref[...], preferred_element_type=jnp.float32))
    mu = jnp.mean(pre, axis=0, keepdims=True)
    cen = pre - ga_ref[...] * mu
    var = jnp.mean(cen * cen, axis=0, keepdims=True)
    out = gw_ref[...] * cen * lax.rsqrt(var + EPS) + gb_ref[...]
    out_ref[...] = jnp.maximum(out, 0.0)


_tc_layer = pl.pallas_call(
    _tc_layer_body,
    out_shape=jax.ShapeDtypeStruct((N_NODES, D), jnp.float32),
)


def _tc_heads_body(h_ref, w1a, b1a, w2a, b2a, w1b, b1b, w2b, b2b,
                   w1c, b1c, w2c, b2c, oa, ob, oc):
    h = h_ref[...]

    def head(w1, b1, w2, b2, o):
        z = jnp.maximum(jnp.dot(h, w1[...], preferred_element_type=jnp.float32)
                        + b1[...], 0.0)
        o[...] = jnp.dot(z, w2[...], preferred_element_type=jnp.float32) + b2[...]

    head(w1a, b1a, w2a, b2a, oa)
    head(w1b, b1b, w2b, b2b, ob)
    head(w1c, b1c, w2c, b2c, oc)


def _make_heads(n_hh, douts):
    return pl.pallas_call(
        _tc_heads_body,
        out_shape=tuple(jax.ShapeDtypeStruct((n_hh, d), jnp.float32)
                        for d in douts),
    )


def kernel(x, edge_index, params):
    src = edge_index[0].astype(jnp.int32).reshape(NW, CHUNKS, K)
    dst = edge_index[1].astype(jnp.int32).reshape(NW, CHUNKS, K)
    zf = jnp.zeros((ROWS_PER_TILE, D), jnp.float32)
    zc = jnp.zeros((CNT_PER_TILE,), jnp.float32)

    h = x
    cnt = None
    for i in (1, 2, 3):
        if i == 1:
            agg_p, cnt_p = _sc_agg_cnt(h, src, dst, zf, zc)
            cnt = cnt_p.reshape(NC, N_NODES, 1)
        else:
            (agg_p,) = _sc_agg(h, src, dst, zf)
        agg_p = agg_p.reshape(NC, N_NODES, D)
        h = _tc_layer(agg_p, cnt,
                      h,
                      params['W%dl' % i], params['b%dl' % i].reshape(1, D),
                      params['W%dr' % i],
                      params['g%dw' % i].reshape(1, D),
                      params['g%db' % i].reshape(1, D),
                      params['g%da' % i].reshape(1, D))

    hh_in = h[:8192]
    heads = _make_heads(8192, (12, 18, 9))
    hh_out, eth_out, rel_out = heads(
        hh_in,
        params['hhW1'], params['hhb1'].reshape(1, MLP_H),
        params['hhW2'], params['hhb2'].reshape(1, 12),
        params['etW1'], params['etb1'].reshape(1, MLP_H),
        params['etW2'], params['etb2'].reshape(1, 18),
        params['rlW1'], params['rlb1'].reshape(1, MLP_H),
        params['rlW2'], params['rlb2'].reshape(1, 9),
    )
    return (hh_out, eth_out, rel_out)

# --- scband reference (transcript-rebuilt; emitter-appended) ---
"""Pipeline reference for scband-enhanced-gnnmodel-household-20349555049091 (READ-ONLY COPY).

The authoritative reference and input builder live on the scoring server;
editing this copy changes nothing except your own understanding.
"""

import jax, jax.numpy as jnp
import numpy as np

N_NODES = 10000
N_EDGES = 320000
D_IN = 128
H = 128
MLP_H = 256
OUT_HH, OUT_ETH, OUT_REL = 12, 18, 9
NUM_HOUSEHOLDS = 8192
EPS = 1e-5

def _glorot(key, shape):
    lim = (6.0 / (shape[0] + shape[1])) ** 0.5
    return jax.random.uniform(key, shape, jnp.float32, -lim, lim)

def setup_inputs(seed: int = 0):
    key = jax.random.key(seed)
    ks = jax.random.split(key, 40)
    x = jax.random.normal(ks[0], (N_NODES, D_IN), jnp.float32)
    edge_index = jax.random.randint(ks[1], (2, N_EDGES), 0, N_NODES)
    params = {}
    dims = [(D_IN, H), (H, H), (H, H)]
    ki = 2
    for i, (di, do) in enumerate(dims, start=1):
        params['W%dl' % i] = _glorot(ks[ki], (di, do)); ki += 1
        params['b%dl' % i] = jnp.zeros((do,), jnp.float32)
        params['W%dr' % i] = _glorot(ks[ki], (di, do)); ki += 1
        params['g%dw' % i] = jnp.ones((do,), jnp.float32)
        params['g%db' % i] = jnp.zeros((do,), jnp.float32)
        params['g%da' % i] = jnp.ones((do,), jnp.float32)
    for name, dout in [('hh', OUT_HH), ('et', OUT_ETH), ('rl', OUT_REL)]:
        params[name + 'W1'] = _glorot(ks[ki], (H, MLP_H)); ki += 1
        params[name + 'b1'] = jnp.zeros((MLP_H,), jnp.float32)
        params[name + 'W2'] = _glorot(ks[ki], (MLP_H, dout)); ki += 1
        params[name + 'b2'] = jnp.zeros((dout,), jnp.float32)
    return {'x': x, 'edge_index': edge_index, 'params': params}

def reference(x, edge_index, params):
    src, dst = edge_index[0], edge_index[1]
    ones = jnp.ones((src.shape[0],), jnp.float32)
    cnt = jax.ops.segment_sum(ones, dst, num_segments=N_NODES)
    cnt = jnp.clip(cnt, 1.0)[:, None]

    def sage(h, Wl, bl, Wr):
        agg = jax.ops.segment_sum(h[src], dst, num_segments=N_NODES)
        mean = agg / cnt
        return mean @ Wl + bl + h @ Wr

    def gnorm(h, w, b, a):
        mu = h.mean(0, keepdims=True)
        out = h - a * mu
        var = (out * out).mean(0, keepdims=True)
        return w * out / jnp.sqrt(var + EPS) + b

    h = x
    for i in (1, 2, 3):
        h = sage(h, params['W%dl' % i], params['b%dl' % i], params['W%dr' % i])
        h = gnorm(h, params['g%dw' % i], params['g%db' % i], params['g%da' % i])
        h = jax.nn.relu(h)

    hh_in = h[:NUM_HOUSEHOLDS]

    def mlp(z, W1, b1, W2, b2):
        return jax.nn.relu(z @ W1 + b1) @ W2 + b2

    hh_out = mlp(hh_in, params['hhW1'], params['hhb1'], params['hhW2'], params['hhb2'])
    eth_out = mlp(hh_in, params['etW1'], params['etb1'], params['etW2'], params['etb2'])
    rel_out = mlp(hh_in, params['rlW1'], params['rlb1'], params['rlW2'], params['rlb2'])
    return (hh_out, eth_out, rel_out)

if __name__ == "__main__":
    import jax
    _d = setup_inputs()
    print(jax.jit(kernel)(*tuple(_d.values())))

</pallas_src>

<mosaic_0001>
#map = affine_map<(d0, d1) -> (0, 0)>
#map1 = affine_map<(d0, d1) -> (0, 0, 0)>
#map2 = affine_map<(d0, d1) -> (0, 0, 0, 0)>
module attributes {stable_mosaic.version = 14 : i64} {
  func.func @_sc_agg_body(%arg0: i32, %arg1: i32, %arg2: memref<10000x128xf32, #tpu.memory_space<hbm>>, %arg3: memref<32x125x80xi32, #tpu.memory_space<hbm>>, %arg4: memref<32x125x80xi32, #tpu.memory_space<hbm>>, %arg5: memref<625x128xf32, #tpu.memory_space<hbm>>, %arg6: memref<2x16x625x128xf32, #tpu.memory_space<hbm>>, %arg7: memref<125x80xi32, #tpu.memory_space<vmem>>, %arg8: memref<125x80xi32, #tpu.memory_space<vmem>>, %arg9: memref<80x128xf32, #tpu.memory_space<vmem>>, %arg10: memref<10000x128xf32, #tpu.memory_space<vmem_shared>>, %arg11: memref<!tpu.dma_semaphore, #tpu.memory_space<semaphore_mem>>) attributes {dimension_semantics = [#tpu.dimension_semantics<core_parallel>, #tpu.dimension_semantics<subcore_parallel>], iteration_bounds = array<i64: 2, 16>, scalar_prefetch = 0 : i64, scratch_operands = 5 : i64, tpu.core_type = #tpu.core_type<sc_vector_subcore>, window_params = [{transform_indices = #map}, {transform_indices = #map1}, {transform_indices = #map1}, {transform_indices = #map}, {transform_indices = #map2}]} {
    %mul3A = arith.constant 16 : i32
    %mul3A_0 = arith.muli %arg0, %mul3A : i32
    %add3A = arith.addi %mul3A_0, %arg1 : i32
    %mul3A_1 = arith.constant 625 : i32
    %mul3A_2 = arith.muli %arg1, %mul3A_1 : i32
    "tpu.region"() ({
      %run_scoped3A = tpu.sem_alloc : memref<!tpu.dma_semaphore, #tpu.memory_space<semaphore_mem>>
      %dma_start3A = arith.constant 0 : i32
      %dma_start3A_11 = tpu.memref_slice %arg10[%mul3A_2, %dma_start3A] : memref<10000x128xf32, #tpu.memory_space<vmem_shared>> -> memref<625x128xf32, #tpu.memory_space<vmem_shared>>
      tpu.enqueue_dma source(%arg5 : memref<625x128xf32, #tpu.memory_space<hbm>>) target(%dma_start3A_11 : memref<625x128xf32, #tpu.memory_space<vmem_shared>>) target_semaphore(%run_scoped3A : memref<!tpu.dma_semaphore, #tpu.memory_space<semaphore_mem>>)
      %dma_wait3A = arith.constant 0 : i32
      %dma_wait3A_12 = tpu.memref_slice %arg10[%mul3A_2, %dma_wait3A] : memref<10000x128xf32, #tpu.memory_space<vmem_shared>> -> memref<625x128xf32, #tpu.memory_space<vmem_shared>>
      tpu.wait_dma2 semaphore(%run_scoped3A : memref<!tpu.dma_semaphore, #tpu.memory_space<semaphore_mem>>) src(%arg5 : memref<625x128xf32, #tpu.memory_space<hbm>>) dst(%dma_wait3A_12 : memref<625x128xf32, #tpu.memory_space<vmem_shared>>)
      tpu.yield
    }) : () -> ()
    %barrier3A = arith.constant 0 : index
    tpu.barrier barrier_id(%barrier3A)
    "tpu.region"() ({
      %run_scoped3A = tpu.sem_alloc : memref<!tpu.dma_semaphore, #tpu.memory_space<semaphore_mem>>
      %dma_start3A = arith.constant 0 : i32
      %dma_start3A_11 = arith.constant 0 : i32
      %dma_start3A_12 = tpu.memref_slice %arg3[%add3A, %dma_start3A, %dma_start3A_11] : memref<32x125x80xi32, #tpu.memory_space<hbm>> -> memref<1x125x80xi32, #tpu.memory_space<hbm>>
      %dma_start3A_13 = tpu.memref_squeeze %dma_start3A_12 : memref<1x125x80xi32, #tpu.memory_space<hbm>> -> memref<125x80xi32, #tpu.memory_space<hbm>>
      %dma_start3A_14 = arith.constant 0 : i32
      %dma_start3A_15 = arith.constant 0 : i32
      %dma_start3A_16 = tpu.memref_slice %arg3[%add3A, %dma_start3A_14, %dma_start3A_15] : memref<32x125x80xi32, #tpu.memory_space<hbm>> -> memref<1x125x80xi32, #tpu.memory_space<hbm>>
      %dma_start3A_17 = tpu.memref_squeeze %dma_start3A_16 : memref<1x125x80xi32, #tpu.memory_space<hbm>> -> memref<125x80xi32, #tpu.memory_space<hbm>>
      tpu.enqueue_dma source(%dma_start3A_17 : memref<125x80xi32, #tpu.memory_space<hbm>>) target(%arg7 : memref<125x80xi32, #tpu.memory_space<vmem>>) target_semaphore(%run_scoped3A : memref<!tpu.dma_semaphore, #tpu.memory_space<semaphore_mem>>)
      %dma_wait3A = arith.constant 0 : i32
      %dma_wait3A_18 = arith.constant 0 : i32
      %dma_wait3A_19 = tpu.memref_slice %arg3[%add3A, %dma_wait3A, %dma_wait3A_18] : memref<32x125x80xi32, #tpu.memory_space<hbm>> -> memref<1x125x80xi32, #tpu.memory_space<hbm>>
      %dma_wait3A_20 = tpu.memref_squeeze %dma_wait3A_19 : memref<1x125x80xi32, #tpu.memory_space<hbm>> -> memref<125x80xi32, #tpu.memory_space<hbm>>
      %dma_wait3A_21 = arith.constant 0 : i32
      %dma_wait3A_22 = arith.constant 0 : i32
      %dma_wait3A_23 = tpu.memref_slice %arg3[%add3A, %dma_wait3A_21, %dma_wait3A_22] : memref<32x125x80xi32, #tpu.memory_space<hbm>> -> memref<1x125x80xi32, #tpu.memory_space<hbm>>
      %dma_wait3A_24 = tpu.memref_squeeze %dma_wait3A_23 : memref<1x125x80xi32, #tpu.memory_space<hbm>> -> memref<125x80xi32, #tpu.memory_space<hbm>>
      tpu.wait_dma2 semaphore(%run_scoped3A : memref<!tpu.dma_semaphore, #tpu.memory_space<semaphore_mem>>) src(%dma_wait3A_24 : memref<125x80xi32, #tpu.memory_space<hbm>>) dst(%arg7 : memref<125x80xi32, #tpu.memory_space<vmem>>)
      tpu.yield
    }) : () -> ()
    "tpu.region"() ({
      %run_scoped3A = tpu.sem_alloc : memref<!tpu.dma_semaphore, #tpu.memory_space<semaphore_mem>>
      %dma_start3A = arith.constant 0 : i32
      %dma_start3A_11 = arith.constant 0 : i32
      %dma_start3A_12 = tpu.memref_slice %arg4[%add3A, %dma_start3A, %dma_start3A_11] : memref<32x125x80xi32, #tpu.memory_space<hbm>> -> memref<1x125x80xi32, #tpu.memory_space<hbm>>
      %dma_start3A_13 = tpu.memref_squeeze %dma_start3A_12 : memref<1x125x80xi32, #tpu.memory_space<hbm>> -> memref<125x80xi32, #tpu.memory_space<hbm>>
      %dma_start3A_14 = arith.constant 0 : i32
      %dma_start3A_15 = arith.constant 0 : i32
      %dma_start3A_16 = tpu.memref_slice %arg4[%add3A, %dma_start3A_14, %dma_start3A_15] : memref<32x125x80xi32, #tpu.memory_space<hbm>> -> memref<1x125x80xi32, #tpu.memory_space<hbm>>
      %dma_start3A_17 = tpu.memref_squeeze %dma_start3A_16 : memref<1x125x80xi32, #tpu.memory_space<hbm>> -> memref<125x80xi32, #tpu.memory_space<hbm>>
      tpu.enqueue_dma source(%dma_start3A_17 : memref<125x80xi32, #tpu.memory_space<hbm>>) target(%arg8 : memref<125x80xi32, #tpu.memory_space<vmem>>) target_semaphore(%run_scoped3A : memref<!tpu.dma_semaphore, #tpu.memory_space<semaphore_mem>>)
      %dma_wait3A = arith.constant 0 : i32
      %dma_wait3A_18 = arith.constant 0 : i32
      %dma_wait3A_19 = tpu.memref_slice %arg4[%add3A, %dma_wait3A, %dma_wait3A_18] : memref<32x125x80xi32, #tpu.memory_space<hbm>> -> memref<1x125x80xi32, #tpu.memory_space<hbm>>
      %dma_wait3A_20 = tpu.memref_squeeze %dma_wait3A_19 : memref<1x125x80xi32, #tpu.memory_space<hbm>> -> memref<125x80xi32, #tpu.memory_space<hbm>>
      %dma_wait3A_21 = arith.constant 0 : i32
      %dma_wait3A_22 = arith.constant 0 : i32
      %dma_wait3A_23 = tpu.memref_slice %arg4[%add3A, %dma_wait3A_21, %dma_wait3A_22] : memref<32x125x80xi32, #tpu.memory_space<hbm>> -> memref<1x125x80xi32, #tpu.memory_space<hbm>>
      %dma_wait3A_24 = tpu.memref_squeeze %dma_wait3A_23 : memref<1x125x80xi32, #tpu.memory_space<hbm>> -> memref<125x80xi32, #tpu.memory_space<hbm>>
      tpu.wait_dma2 semaphore(%run_scoped3A : memref<!tpu.dma_semaphore, #tpu.memory_space<semaphore_mem>>) src(%dma_wait3A_24 : memref<125x80xi32, #tpu.memory_space<hbm>>) dst(%arg8 : memref<125x80xi32, #tpu.memory_space<vmem>>)
      tpu.yield
    }) : () -> ()
    %scan3A = arith.constant 0 : i32
    %scan3A_3 = arith.constant 0 : i32
    %scan3A_4 = arith.constant 125 : i32
    %scan3A_5 = arith.addi %scan3A_3, %scan3A_4 : i32
    %scan3A_6 = arith.constant 1 : i32
    scf.for %scan3A_11 = %scan3A_3 to %scan3A_5 step %scan3A_6  : i32 {
      %dma_start3A = arith.constant 0 : i32
      %dma_start3A_12 = tpu.memref_slice %arg7[%scan3A_11, %dma_start3A] : memref<125x80xi32, #tpu.memory_space<vmem>> -> memref<1x80xi32, #tpu.memory_space<vmem>>
      %dma_start3A_13 = tpu.memref_squeeze %dma_start3A_12 : memref<1x80xi32, #tpu.memory_space<vmem>> -> memref<80xi32, #tpu.memory_space<vmem>>
      %dma_start3A_14 = arith.constant 0 : i32
      %dma_start3A_15 = arith.constant 0 : i32
      %dma_start3A_16 = tpu.memref_slice %arg2[%dma_start3A_14, %dma_start3A_15] : memref<10000x128xf32, #tpu.memory_space<hbm>> -> memref<10000x128xf32, #tpu.memory_space<hbm>>
      tpu.enqueue_indirect_dma source(%dma_start3A_16 : memref<10000x128xf32, #tpu.memory_space<hbm>>) target(%arg9 : memref<80x128xf32, #tpu.memory_space<vmem>>) offsets(%dma_start3A_13 : memref<80xi32, #tpu.memory_space<vmem>>) semaphore(%arg11 : memref<!tpu.dma_semaphore, #tpu.memory_space<semaphore_mem>>)
      %dma_wait3A = arith.constant 0 : i32
      %dma_wait3A_17 = tpu.memref_slice %arg7[%scan3A_11, %dma_wait3A] : memref<125x80xi32, #tpu.memory_space<vmem>> -> memref<1x80xi32, #tpu.memory_space<vmem>>
      %dma_wait3A_18 = tpu.memref_squeeze %dma_wait3A_17 : memref<1x80xi32, #tpu.memory_space<vmem>> -> memref<80xi32, #tpu.memory_space<vmem>>
      %dma_wait3A_19 = arith.constant 0 : i32
      %dma_wait3A_20 = arith.constant 0 : i32
      %dma_wait3A_21 = tpu.memref_slice %arg2[%dma_wait3A_19, %dma_wait3A_20] : memref<10000x128xf32, #tpu.memory_space<hbm>> -> memref<10000x128xf32, #tpu.memory_space<hbm>>
      tpu.wait_indirect_dma semaphore(%arg11 : memref<!tpu.dma_semaphore, #tpu.memory_space<semaphore_mem>>) src(%dma_wait3A_21 : memref<10000x128xf32, #tpu.memory_space<hbm>>) dst(%arg9 : memref<80x128xf32, #tpu.memory_space<vmem>>)
      "tpu.region"() ({
        %run_scoped3A = tpu.sem_alloc : memref<!tpu.dma_semaphore, #tpu.memory_space<semaphore_mem>>
        %dma_start3A_22 = arith.constant 0 : i32
        %dma_start3A_23 = tpu.memref_slice %arg8[%scan3A_11, %dma_start3A_22] : memref<125x80xi32, #tpu.memory_space<vmem>> -> memref<1x80xi32, #tpu.memory_space<vmem>>
        %dma_start3A_24 = tpu.memref_squeeze %dma_start3A_23 : memref<1x80xi32, #tpu.memory_space<vmem>> -> memref<80xi32, #tpu.memory_space<vmem>>
        %dma_start3A_25 = arith.constant 0 : i32
        %dma_start3A_26 = arith.constant 0 : i32
        %dma_start3A_27 = tpu.memref_slice %arg10[%dma_start3A_25, %dma_start3A_26] : memref<10000x128xf32, #tpu.memory_space<vmem_shared>> -> memref<10000x128xf32, #tpu.memory_space<vmem_shared>>
        tpu.enqueue_indirect_dma source(%arg9 : memref<80x128xf32, #tpu.memory_space<vmem>>) target(%dma_start3A_27 : memref<10000x128xf32, #tpu.memory_space<vmem_shared>>) offsets(%dma_start3A_24 : memref<80xi32, #tpu.memory_space<vmem>>) semaphore(%run_scoped3A : memref<!tpu.dma_semaphore, #tpu.memory_space<semaphore_mem>>) {add = true}
        %dma_wait3A_28 = arith.constant 0 : i32
        %dma_wait3A_29 = tpu.memref_slice %arg8[%scan3A_11, %dma_wait3A_28] : memref<125x80xi32, #tpu.memory_space<vmem>> -> memref<1x80xi32, #tpu.memory_space<vmem>>
        %dma_wait3A_30 = tpu.memref_squeeze %dma_wait3A_29 : memref<1x80xi32, #tpu.memory_space<vmem>> -> memref<80xi32, #tpu.memory_space<vmem>>
        %dma_wait3A_31 = arith.constant 0 : i32
        %dma_wait3A_32 = arith.constant 0 : i32
        %dma_wait3A_33 = tpu.memref_slice %arg10[%dma_wait3A_31, %dma_wait3A_32] : memref<10000x128xf32, #tpu.memory_space<vmem_shared>> -> memref<10000x128xf32, #tpu.memory_space<vmem_shared>>
        tpu.wait_indirect_dma semaphore(%run_scoped3A : memref<!tpu.dma_semaphore, #tpu.memory_space<semaphore_mem>>) src(%arg9 : memref<80x128xf32, #tpu.memory_space<vmem>>) dst(%dma_wait3A_33 : memref<10000x128xf32, #tpu.memory_space<vmem_shared>>)
        tpu.yield
      }) : () -> ()
    }
    %scan3A_7 = arith.constant 125 : i32
    %barrier3A_8 = arith.constant 0 : index
    tpu.barrier barrier_id(%barrier3A_8)
    %mul3A_9 = arith.constant 625 : i32
    %mul3A_10 = arith.muli %arg1, %mul3A_9 : i32
    "tpu.region"() ({
      %run_scoped3A = tpu.sem_alloc : memref<!tpu.dma_semaphore, #tpu.memory_space<semaphore_mem>>
      %dma_start3A = arith.constant 0 : i32
      %dma_start3A_11 = arith.constant 0 : i32
      %dma_start3A_12 = tpu.memref_slice %arg6[%arg0, %arg1, %dma_start3A, %dma_start3A_11] : memref<2x16x625x128xf32, #tpu.memory_space<hbm>> -> memref<1x1x625x128xf32, #tpu.memory_space<hbm>>
      %dma_start3A_13 = tpu.memref_squeeze %dma_start3A_12 : memref<1x1x625x128xf32, #tpu.memory_space<hbm>> -> memref<625x128xf32, #tpu.memory_space<hbm>>
      %dma_start3A_14 = arith.constant 0 : i32
      %dma_start3A_15 = tpu.memref_slice %arg10[%mul3A_10, %dma_start3A_14] : memref<10000x128xf32, #tpu.memory_space<vmem_shared>> -> memref<625x128xf32, #tpu.memory_space<vmem_shared>>
      tpu.enqueue_dma source(%dma_start3A_15 : memref<625x128xf32, #tpu.memory_space<vmem_shared>>) target(%dma_start3A_13 : memref<625x128xf32, #tpu.memory_space<hbm>>) target_semaphore(%run_scoped3A : memref<!tpu.dma_semaphore, #tpu.memory_space<semaphore_mem>>)
      %dma_wait3A = arith.constant 0 : i32
      %dma_wait3A_16 = arith.constant 0 : i32
      %dma_wait3A_17 = tpu.memref_slice %arg6[%arg0, %arg1, %dma_wait3A, %dma_wait3A_16] : memref<2x16x625x128xf32, #tpu.memory_space<hbm>> -> memref<1x1x625x128xf32, #tpu.memory_space<hbm>>
      %dma_wait3A_18 = tpu.memref_squeeze %dma_wait3A_17 : memref<1x1x625x128xf32, #tpu.memory_space<hbm>> -> memref<625x128xf32, #tpu.memory_space<hbm>>
      %dma_wait3A_19 = arith.constant 0 : i32
      %dma_wait3A_20 = tpu.memref_slice %arg10[%mul3A_10, %dma_wait3A_19] : memref<10000x128xf32, #tpu.memory_space<vmem_shared>> -> memref<625x128xf32, #tpu.memory_space<vmem_shared>>
      tpu.wait_dma2 semaphore(%run_scoped3A : memref<!tpu.dma_semaphore, #tpu.memory_space<semaphore_mem>>) src(%dma_wait3A_20 : memref<625x128xf32, #tpu.memory_space<vmem_shared>>) dst(%dma_wait3A_18 : memref<625x128xf32, #tpu.memory_space<hbm>>)
      tpu.yield
    }) : () -> ()
    return
  }
}

#map = affine_map<(d0, d1) -> (0, 0)>
#map1 = affine_map<(d0, d1) -> (0, 0, 0)>
#map2 = affine_map<(d0, d1) -> (0, 0, 0, 0)>
module attributes {stable_mosaic.version = 14 : i64} {
  func.func @_sc_agg_body(%arg0: i32, %arg1: i32, %arg2: memref<10000x128xf32, #tpu.memory_space<hbm>>, %arg3: memref<32x125x80xi32, #tpu.memory_space<hbm>>, %arg4: memref<32x125x80xi32, #tpu.memory_space<hbm>>, %arg5: memref<625x128xf32, #tpu.memory_space<hbm>>, %arg6: memref<2x16x625x128xf32, #tpu.memory_space<hbm>>, %arg7: memref<125x80xi32, #tpu.memory_space<vmem>>, %arg8: memref<125x80xi32, #tpu.memory_space<vmem>>, %arg9: memref<80x128xf32, #tpu.memory_space<vmem>>, %arg10: memref<10000x128xf32, #tpu.memory_space<vmem_shared>>, %arg11: memref<!tpu.dma_semaphore, #tpu.memory_space<semaphore_mem>>) attributes {dimension_semantics = [#tpu.dimension_semantics<core_parallel>, #tpu.dimension_semantics<subcore_parallel>], iteration_bounds = array<i64: 2, 16>, scalar_prefetch = 0 : i64, scratch_operands = 5 : i64, tpu.core_type = #tpu.core_type<sc_vector_subcore>, window_params = [{transform_indices = #map}, {transform_indices = #map1}, {transform_indices = #map1}, {transform_indices = #map}, {transform_indices = #map2}]} {
    %mul3A = arith.constant 16 : i32
    %mul3A_0 = arith.muli %arg0, %mul3A : i32
    %add3A = arith.addi %mul3A_0, %arg1 : i32
    %mul3A_1 = arith.constant 625 : i32
    %mul3A_2 = arith.muli %arg1, %mul3A_1 : i32
    "tpu.region"() ({
      %run_scoped3A = tpu.sem_alloc : memref<!tpu.dma_semaphore, #tpu.memory_space<semaphore_mem>>
      %dma_start3A = arith.constant 0 : i32
      %dma_start3A_11 = tpu.memref_slice %arg10[%mul3A_2, %dma_start3A] : memref<10000x128xf32, #tpu.memory_space<vmem_shared>> -> memref<625x128xf32, #tpu.memory_space<vmem_shared>>
      tpu.enqueue_dma source(%arg5 : memref<625x128xf32, #tpu.memory_space<hbm>>) target(%dma_start3A_11 : memref<625x128xf32, #tpu.memory_space<vmem_shared>>) target_semaphore(%run_scoped3A : memref<!tpu.dma_semaphore, #tpu.memory_space<semaphore_mem>>)
      %dma_wait3A = arith.constant 0 : i32
      %dma_wait3A_12 = tpu.memref_slice %arg10[%mul3A_2, %dma_wait3A] : memref<10000x128xf32, #tpu.memory_space<vmem_shared>> -> memref<625x128xf32, #tpu.memory_space<vmem_shared>>
      tpu.wait_dma2 semaphore(%run_scoped3A : memref<!tpu.dma_semaphore, #tpu.memory_space<semaphore_mem>>) src(%arg5 : memref<625x128xf32, #tpu.memory_space<hbm>>) dst(%dma_wait3A_12 : memref<625x128xf32, #tpu.memory_space<vmem_shared>>)
      tpu.yield
    }) : () -> ()
    %barrier3A = arith.constant 0 : index
    tpu.barrier barrier_id(%barrier3A)
    "tpu.region"() ({
      %run_scoped3A = tpu.sem_alloc : memref<!tpu.dma_semaphore, #tpu.memory_space<semaphore_mem>>
      %dma_start3A = arith.constant 0 : i32
      %dma_start3A_11 = arith.constant 0 : i32
      %dma_start3A_12 = tpu.memref_slice %arg3[%add3A, %dma_start3A, %dma_start3A_11] : memref<32x125x80xi32, #tpu.memory_space<hbm>> -> memref<1x125x80xi32, #tpu.memory_space<hbm>>
      %dma_start3A_13 = tpu.memref_squeeze %dma_start3A_12 : memref<1x125x80xi32, #tpu.memory_space<hbm>> -> memref<125x80xi32, #tpu.memory_space<hbm>>
      %dma_start3A_14 = arith.constant 0 : i32
      %dma_start3A_15 = arith.constant 0 : i32
      %dma_start3A_16 = tpu.memref_slice %arg3[%add3A, %dma_start3A_14, %dma_start3A_15] : memref<32x125x80xi32, #tpu.memory_space<hbm>> -> memref<1x125x80xi32, #tpu.memory_space<hbm>>
      %dma_start3A_17 = tpu.memref_squeeze %dma_start3A_16 : memref<1x125x80xi32, #tpu.memory_space<hbm>> -> memref<125x80xi32, #tpu.memory_space<hbm>>
      tpu.enqueue_dma source(%dma_start3A_17 : memref<125x80xi32, #tpu.memory_space<hbm>>) target(%arg7 : memref<125x80xi32, #tpu.memory_space<vmem>>) target_semaphore(%run_scoped3A : memref<!tpu.dma_semaphore, #tpu.memory_space<semaphore_mem>>)
      %dma_wait3A = arith.constant 0 : i32
      %dma_wait3A_18 = arith.constant 0 : i32
      %dma_wait3A_19 = tpu.memref_slice %arg3[%add3A, %dma_wait3A, %dma_wait3A_18] : memref<32x125x80xi32, #tpu.memory_space<hbm>> -> memref<1x125x80xi32, #tpu.memory_space<hbm>>
      %dma_wait3A_20 = tpu.memref_squeeze %dma_wait3A_19 : memref<1x125x80xi32, #tpu.memory_space<hbm>> -> memref<125x80xi32, #tpu.memory_space<hbm>>
      %dma_wait3A_21 = arith.constant 0 : i32
      %dma_wait3A_22 = arith.constant 0 : i32
      %dma_wait3A_23 = tpu.memref_slice %arg3[%add3A, %dma_wait3A_21, %dma_wait3A_22] : memref<32x125x80xi32, #tpu.memory_space<hbm>> -> memref<1x125x80xi32, #tpu.memory_space<hbm>>
      %dma_wait3A_24 = tpu.memref_squeeze %dma_wait3A_23 : memref<1x125x80xi32, #tpu.memory_space<hbm>> -> memref<125x80xi32, #tpu.memory_space<hbm>>
      tpu.wait_dma2 semaphore(%run_scoped3A : memref<!tpu.dma_semaphore, #tpu.memory_space<semaphore_mem>>) src(%dma_wait3A_24 : memref<125x80xi32, #tpu.memory_space<hbm>>) dst(%arg7 : memref<125x80xi32, #tpu.memory_space<vmem>>)
      tpu.yield
    }) : () -> ()
    "tpu.region"() ({
      %run_scoped3A = tpu.sem_alloc : memref<!tpu.dma_semaphore, #tpu.memory_space<semaphore_mem>>
      %dma_start3A = arith.constant 0 : i32
      %dma_start3A_11 = arith.constant 0 : i32
      %dma_start3A_12 = tpu.memref_slice %arg4[%add3A, %dma_start3A, %dma_start3A_11] : memref<32x125x80xi32, #tpu.memory_space<hbm>> -> memref<1x125x80xi32, #tpu.memory_space<hbm>>
      %dma_start3A_13 = tpu.memref_squeeze %dma_start3A_12 : memref<1x125x80xi32, #tpu.memory_space<hbm>> -> memref<125x80xi32, #tpu.memory_space<hbm>>
      %dma_start3A_14 = arith.constant 0 : i32
      %dma_start3A_15 = arith.constant 0 : i32
      %dma_start3A_16 = tpu.memref_slice %arg4[%add3A, %dma_start3A_14, %dma_start3A_15] : memref<32x125x80xi32, #tpu.memory_space<hbm>> -> memref<1x125x80xi32, #tpu.memory_space<hbm>>
      %dma_start3A_17 = tpu.memref_squeeze %dma_start3A_16 : memref<1x125x80xi32, #tpu.memory_space<hbm>> -> memref<125x80xi32, #tpu.memory_space<hbm>>
      tpu.enqueue_dma source(%dma_start3A_17 : memref<125x80xi32, #tpu.memory_space<hbm>>) target(%arg8 : memref<125x80xi32, #tpu.memory_space<vmem>>) target_semaphore(%run_scoped3A : memref<!tpu.dma_semaphore, #tpu.memory_space<semaphore_mem>>)
      %dma_wait3A = arith.constant 0 : i32
      %dma_wait3A_18 = arith.constant 0 : i32
      %dma_wait3A_19 = tpu.memref_slice %arg4[%add3A, %dma_wait3A, %dma_wait3A_18] : memref<32x125x80xi32, #tpu.memory_space<hbm>> -> memref<1x125x80xi32, #tpu.memory_space<hbm>>
      %dma_wait3A_20 = tpu.memref_squeeze %dma_wait3A_19 : memref<1x125x80xi32, #tpu.memory_space<hbm>> -> memref<125x80xi32, #tpu.memory_space<hbm>>
      %dma_wait3A_21 = arith.constant 0 : i32
      %dma_wait3A_22 = arith.constant 0 : i32
      %dma_wait3A_23 = tpu.memref_slice %arg4[%add3A, %dma_wait3A_21, %dma_wait3A_22] : memref<32x125x80xi32, #tpu.memory_space<hbm>> -> memref<1x125x80xi32, #tpu.memory_space<hbm>>
      %dma_wait3A_24 = tpu.memref_squeeze %dma_wait3A_23 : memref<1x125x80xi32, #tpu.memory_space<hbm>> -> memref<125x80xi32, #tpu.memory_space<hbm>>
      tpu.wait_dma2 semaphore(%run_scoped3A : memref<!tpu.dma_semaphore, #tpu.memory_space<semaphore_mem>>) src(%dma_wait3A_24 : memref<125x80xi32, #tpu.memory_space<hbm>>) dst(%arg8 : memref<125x80xi32, #tpu.memory_space<vmem>>)
      tpu.yield
    }) : () -> ()
    %scan3A = arith.constant 0 : i32
    %scan3A_3 = arith.constant 0 : i32
    %scan3A_4 = arith.constant 125 : i32
    %scan3A_5 = arith.addi %scan3A_3, %scan3A_4 : i32
    %scan3A_6 = arith.constant 1 : i32
    scf.for %scan3A_11 = %scan3A_3 to %scan3A_5 step %scan3A_6  : i32 {
      %dma_start3A = arith.constant 0 : i32
      %dma_start3A_12 = tpu.memref_slice %arg7[%scan3A_11, %dma_start3A] : memref<125x80xi32, #tpu.memory_space<vmem>> -> memref<1x80xi32, #tpu.memory_space<vmem>>
      %dma_start3A_13 = tpu.memref_squeeze %dma_start3A_12 : memref<1x80xi32, #tpu.memory_space<vmem>> -> memref<80xi32, #tpu.memory_space<vmem>>
      %dma_start3A_14 = arith.constant 0 : i32
      %dma_start3A_15 = arith.constant 0 : i32
      %dma_start3A_16 = tpu.memref_slice %arg2[%dma_start3A_14, %dma_start3A_15] : memref<10000x128xf32, #tpu.memory_space<hbm>> -> memref<10000x128xf32, #tpu.memory_space<hbm>>
      tpu.enqueue_indirect_dma source(%dma_start3A_16 : memref<10000x128xf32, #tpu.memory_space<hbm>>) target(%arg9 : memref<80x128xf32, #tpu.memory_space<vmem>>) offsets(%dma_start3A_13 : memref<80xi32, #tpu.memory_space<vmem>>) semaphore(%arg11 : memref<!tpu.dma_semaphore, #tpu.memory_space<semaphore_mem>>)
      %dma_wait3A = arith.constant 0 : i32
      %dma_wait3A_17 = tpu.memref_slice %arg7[%scan3A_11, %dma_wait3A] : memref<125x80xi32, #tpu.memory_space<vmem>> -> memref<1x80xi32, #tpu.memory_space<vmem>>
      %dma_wait3A_18 = tpu.memref_squeeze %dma_wait3A_17 : memref<1x80xi32, #tpu.memory_space<vmem>> -> memref<80xi32, #tpu.memory_space<vmem>>
      %dma_wait3A_19 = arith.constant 0 : i32
      %dma_wait3A_20 = arith.constant 0 : i32
      %dma_wait3A_21 = tpu.memref_slice %arg2[%dma_wait3A_19, %dma_wait3A_20] : memref<10000x128xf32, #tpu.memory_space<hbm>> -> memref<10000x128xf32, #tpu.memory_space<hbm>>
      tpu.wait_indirect_dma semaphore(%arg11 : memref<!tpu.dma_semaphore, #tpu.memory_space<semaphore_mem>>) src(%dma_wait3A_21 : memref<10000x128xf32, #tpu.memory_space<hbm>>) dst(%arg9 : memref<80x128xf32, #tpu.memory_space<vmem>>)
      "tpu.region"() ({
        %run_scoped3A = tpu.sem_alloc : memref<!tpu.dma_semaphore, #tpu.memory_space<semaphore_mem>>
        %dma_start3A_22 = arith.constant 0 : i32
        %dma_start3A_23 = tpu.memref_slice %arg8[%scan3A_11, %dma_start3A_22] : memref<125x80xi32, #tpu.memory_space<vmem>> -> memref<1x80xi32, #tpu.memory_space<vmem>>
        %dma_start3A_24 = tpu.memref_squeeze %dma_start3A_23 : memref<1x80xi32, #tpu.memory_space<vmem>> -> memref<80xi32, #tpu.memory_space<vmem>>
        %dma_start3A_25 = arith.constant 0 : i32
        %dma_start3A_26 = arith.constant 0 : i32
        %dma_start3A_27 = tpu.memref_slice %arg10[%dma_start3A_25, %dma_start3A_26] : memref<10000x128xf32, #tpu.memory_space<vmem_shared>> -> memref<10000x128xf32, #tpu.memory_space<vmem_shared>>
        tpu.enqueue_indirect_dma source(%arg9 : memref<80x128xf32, #tpu.memory_space<vmem>>) target(%dma_start3A_27 : memref<10000x128xf32, #tpu.memory_space<vmem_shared>>) offsets(%dma_start3A_24 : memref<80xi32, #tpu.memory_space<vmem>>) semaphore(%run_scoped3A : memref<!tpu.dma_semaphore, #tpu.memory_space<semaphore_mem>>) {add = true}
        %dma_wait3A_28 = arith.constant 0 : i32
        %dma_wait3A_29 = tpu.memref_slice %arg8[%scan3A_11, %dma_wait3A_28] : memref<125x80xi32, #tpu.memory_space<vmem>> -> memref<1x80xi32, #tpu.memory_space<vmem>>
        %dma_wait3A_30 = tpu.memref_squeeze %dma_wait3A_29 : memref<1x80xi32, #tpu.memory_space<vmem>> -> memref<80xi32, #tpu.memory_space<vmem>>
        %dma_wait3A_31 = arith.constant 0 : i32
        %dma_wait3A_32 = arith.constant 0 : i32
        %dma_wait3A_33 = tpu.memref_slice %arg10[%dma_wait3A_31, %dma_wait3A_32] : memref<10000x128xf32, #tpu.memory_space<vmem_shared>> -> memref<10000x128xf32, #tpu.memory_space<vmem_shared>>
        tpu.wait_indirect_dma semaphore(%run_scoped3A : memref<!tpu.dma_semaphore, #tpu.memory_space<semaphore_mem>>) src(%arg9 : memref<80x128xf32, #tpu.memory_space<vmem>>) dst(%dma_wait3A_33 : memref<10000x128xf32, #tpu.memory_space<vmem_shared>>)
        tpu.yield
      }) : () -> ()
    }
    %scan3A_7 = arith.constant 125 : i32
    %barrier3A_8 = arith.constant 0 : index
    tpu.barrier barrier_id(%barrier3A_8)
    %mul3A_9 = arith.constant 625 : i32
    %mul3A_10 = arith.muli %arg1, %mul3A_9 : i32
    "tpu.region"() ({
      %run_scoped3A = tpu.sem_alloc : memref<!tpu.dma_semaphore, #tpu.memory_space<semaphore_mem>>
      %dma_start3A = arith.constant 0 : i32
      %dma_start3A_11 = arith.constant 0 : i32
      %dma_start3A_12 = tpu.memref_slice %arg6[%arg0, %arg1, %dma_start3A, %dma_start3A_11] : memref<2x16x625x128xf32, #tpu.memory_space<hbm>> -> memref<1x1x625x128xf32, #tpu.memory_space<hbm>>
      %dma_start3A_13 = tpu.memref_squeeze %dma_start3A_12 : memref<1x1x625x128xf32, #tpu.memory_space<hbm>> -> memref<625x128xf32, #tpu.memory_space<hbm>>
      %dma_start3A_14 = arith.constant 0 : i32
      %dma_start3A_15 = tpu.memref_slice %arg10[%mul3A_10, %dma_start3A_14] : memref<10000x128xf32, #tpu.memory_space<vmem_shared>> -> memref<625x128xf32, #tpu.memory_space<vmem_shared>>
      tpu.enqueue_dma source(%dma_start3A_15 : memref<625x128xf32, #tpu.memory_space<vmem_shared>>) target(%dma_start3A_13 : memref<625x128xf32, #tpu.memory_space<hbm>>) target_semaphore(%run_scoped3A : memref<!tpu.dma_semaphore, #tpu.memory_space<semaphore_mem>>)
      %dma_wait3A = arith.constant 0 : i32
      %dma_wait3A_16 = arith.constant 0 : i32
      %dma_wait3A_17 = tpu.memref_slice %arg6[%arg0, %arg1, %dma_wait3A, %dma_wait3A_16] : memref<2x16x625x128xf32, #tpu.memory_space<hbm>> -> memref<1x1x625x128xf32, #tpu.memory_space<hbm>>
      %dma_wait3A_18 = tpu.memref_squeeze %dma_wait3A_17 : memref<1x1x625x128xf32, #tpu.memory_space<hbm>> -> memref<625x128xf32, #tpu.memory_space<hbm>>
      %dma_wait3A_19 = arith.constant 0 : i32
      %dma_wait3A_20 = tpu.memref_slice %arg10[%mul3A_10, %dma_wait3A_19] : memref<10000x128xf32, #tpu.memory_space<vmem_shared>> -> memref<625x128xf32, #tpu.memory_space<vmem_shared>>
      tpu.wait_dma2 semaphore(%run_scoped3A : memref<!tpu.dma_semaphore, #tpu.memory_space<semaphore_mem>>) src(%dma_wait3A_20 : memref<625x128xf32, #tpu.memory_space<vmem_shared>>) dst(%dma_wait3A_18 : memref<625x128xf32, #tpu.memory_space<hbm>>)
      tpu.yield
    }) : () -> ()
    return
  }
}

#map = affine_map<(d0, d1) -> (0, 0)>
#map1 = affine_map<(d0, d1) -> (0, 0, 0)>
#map2 = affine_map<(d0, d1) -> (0)>
#map3 = affine_map<(d0, d1) -> (0, 0, 0, 0)>
module attributes {stable_mosaic.version = 14 : i64} {
  func.func @_sc_agg_body(%arg0: i32, %arg1: i32, %arg2: memref<10000x128xf32, #tpu.memory_space<hbm>>, %arg3: memref<32x125x80xi32, #tpu.memory_space<hbm>>, %arg4: memref<32x125x80xi32, #tpu.memory_space<hbm>>, %arg5: memref<625x128xf32, #tpu.memory_space<hbm>>, %arg6: memref<2000xf32, #tpu.memory_space<hbm>>, %arg7: memref<2x16x625x128xf32, #tpu.memory_space<hbm>>, %arg8: memref<2x5x2000xf32, #tpu.memory_space<hbm>>, %arg9: memref<125x80xi32, #tpu.memory_space<vmem>>, %arg10: memref<125x80xi32, #tpu.memory_space<vmem>>, %arg11: memref<80x128xf32, #tpu.memory_space<vmem>>, %arg12: memref<10000x128xf32, #tpu.memory_space<vmem_shared>>, %arg13: memref<10000xf32, #tpu.memory_space<vmem_shared>>, %arg14: memref<2000xf32, #tpu.memory_space<vmem>>, %arg15: memref<!tpu.dma_semaphore, #tpu.memory_space<semaphore_mem>>) attributes {dimension_semantics = [#tpu.dimension_semantics<core_parallel>, #tpu.dimension_semantics<subcore_parallel>], iteration_bounds = array<i64: 2, 16>, scalar_prefetch = 0 : i64, scratch_operands = 7 : i64, tpu.core_type = #tpu.core_type<sc_vector_subcore>, window_params = [{transform_indices = #map}, {transform_indices = #map1}, {transform_indices = #map1}, {transform_indices = #map}, {transform_indices = #map2}, {transform_indices = #map3}, {transform_indices = #map1}]} {
    %mul3A = arith.constant 16 : i32
    %mul3A_0 = arith.muli %arg0, %mul3A : i32
    %add3A = arith.addi %mul3A_0, %arg1 : i32
    %mul3A_1 = arith.constant 625 : i32
    %mul3A_2 = arith.muli %arg1, %mul3A_1 : i32
    "tpu.region"() ({
      %run_scoped3A = tpu.sem_alloc : memref<!tpu.dma_semaphore, #tpu.memory_space<semaphore_mem>>
      %dma_start3A = arith.constant 0 : i32
      %dma_start3A_54 = tpu.memref_slice %arg12[%mul3A_2, %dma_start3A] : memref<10000x128xf32, #tpu.memory_space<vmem_shared>> -> memref<625x128xf32, #tpu.memory_space<vmem_shared>>
      tpu.enqueue_dma source(%arg5 : memref<625x128xf32, #tpu.memory_space<hbm>>) target(%dma_start3A_54 : memref<625x128xf32, #tpu.memory_space<vmem_shared>>) target_semaphore(%run_scoped3A : memref<!tpu.dma_semaphore, #tpu.memory_space<semaphore_mem>>)
      %dma_wait3A = arith.constant 0 : i32
      %dma_wait3A_55 = tpu.memref_slice %arg12[%mul3A_2, %dma_wait3A] : memref<10000x128xf32, #tpu.memory_space<vmem_shared>> -> memref<625x128xf32, #tpu.memory_space<vmem_shared>>
      tpu.wait_dma2 semaphore(%run_scoped3A : memref<!tpu.dma_semaphore, #tpu.memory_space<semaphore_mem>>) src(%arg5 : memref<625x128xf32, #tpu.memory_space<hbm>>) dst(%dma_wait3A_55 : memref<625x128xf32, #tpu.memory_space<vmem_shared>>)
      tpu.yield
    }) : () -> ()
    %lt3A = arith.constant 5 : i32
    %lt3A_3 = arith.cmpi slt, %arg1, %lt3A : i32
    %convert_element_type3A = arith.extui %lt3A_3 : i1 to i32
    %cond3A = arith.constant 0 : i32
    %cond3A_4 = arith.cmpi ne, %convert_element_type3A, %cond3A : i32
    scf.if %cond3A_4 {
      "tpu.region"() ({
        %run_scoped3A = tpu.sem_alloc : memref<!tpu.dma_semaphore, #tpu.memory_space<semaphore_mem>>
        tpu.enqueue_dma source(%arg6 : memref<2000xf32, #tpu.memory_space<hbm>>) target(%arg14 : memref<2000xf32, #tpu.memory_space<vmem>>) target_semaphore(%run_scoped3A : memref<!tpu.dma_semaphore, #tpu.memory_space<semaphore_mem>>)
        tpu.wait_dma2 semaphore(%run_scoped3A : memref<!tpu.dma_semaphore, #tpu.memory_space<semaphore_mem>>) src(%arg6 : memref<2000xf32, #tpu.memory_space<hbm>>) dst(%arg14 : memref<2000xf32, #tpu.memory_space<vmem>>)
        tpu.yield
      }) : () -> ()
      %mul3A_54 = arith.constant 2000 : i32
      %mul3A_55 = arith.muli %arg1, %mul3A_54 : i32
      "tpu.region"() ({
        %run_scoped3A = tpu.sem_alloc : memref<!tpu.dma_semaphore, #tpu.memory_space<semaphore_mem>>
        %dma_start3A = tpu.memref_slice %arg13[%mul3A_55] : memref<10000xf32, #tpu.memory_space<vmem_shared>> -> memref<2000xf32, #tpu.memory_space<vmem_shared>>
        %dma_start3A_56 = tpu.memref_slice %arg13[%mul3A_55] : memref<10000xf32, #tpu.memory_space<vmem_shared>> -> memref<2000xf32, #tpu.memory_space<vmem_shared>>
        tpu.enqueue_dma source(%arg14 : memref<2000xf32, #tpu.memory_space<vmem>>) target(%dma_start3A_56 : memref<2000xf32, #tpu.memory_space<vmem_shared>>) target_semaphore(%run_scoped3A : memref<!tpu.dma_semaphore, #tpu.memory_space<semaphore_mem>>)
        %dma_wait3A = tpu.memref_slice %arg13[%mul3A_55] : memref<10000xf32, #tpu.memory_space<vmem_shared>> -> memref<2000xf32, #tpu.memory_space<vmem_shared>>
        %dma_wait3A_57 = tpu.memref_slice %arg13[%mul3A_55] : memref<10000xf32, #tpu.memory_space<vmem_shared>> -> memref<2000xf32, #tpu.memory_space<vmem_shared>>
        tpu.wait_dma2 semaphore(%run_scoped3A : memref<!tpu.dma_semaphore, #tpu.memory_space<semaphore_mem>>) src(%arg14 : memref<2000xf32, #tpu.memory_space<vmem>>) dst(%dma_wait3A_57 : memref<2000xf32, #tpu.memory_space<vmem_shared>>)
        tpu.yield
      }) : () -> ()
    } else {
    }
    %barrier3A = arith.constant 0 : index
    tpu.barrier barrier_id(%barrier3A)
    "tpu.region"() ({
      %run_scoped3A = tpu.sem_alloc : memref<!tpu.dma_semaphore, #tpu.memory_space<semaphore_mem>>
      %dma_start3A = arith.constant 0 : i32
      %dma_start3A_54 = arith.constant 0 : i32
      %dma_start3A_55 = tpu.memref_slice %arg3[%add3A, %dma_start3A, %dma_start3A_54] : memref<32x125x80xi32, #tpu.memory_space<hbm>> -> memref<1x125x80xi32, #tpu.memory_space<hbm>>
      %dma_start3A_56 = tpu.memref_squeeze %dma_start3A_55 : memref<1x125x80xi32, #tpu.memory_space<hbm>> -> memref<125x80xi32, #tpu.memory_space<hbm>>
      %dma_start3A_57 = arith.constant 0 : i32
      %dma_start3A_58 = arith.constant 0 : i32
      %dma_start3A_59 = tpu.memref_slice %arg3[%add3A, %dma_start3A_57, %dma_start3A_58] : memref<32x125x80xi32, #tpu.memory_space<hbm>> -> memref<1x125x80xi32, #tpu.memory_space<hbm>>
      %dma_start3A_60 = tpu.memref_squeeze %dma_start3A_59 : memref<1x125x80xi32, #tpu.memory_space<hbm>> -> memref<125x80xi32, #tpu.memory_space<hbm>>
      tpu.enqueue_dma source(%dma_start3A_60 : memref<125x80xi32, #tpu.memory_space<hbm>>) target(%arg9 : memref<125x80xi32, #tpu.memory_space<vmem>>) target_semaphore(%run_scoped3A : memref<!tpu.dma_semaphore, #tpu.memory_space<semaphore_mem>>)
      %dma_wait3A = arith.constant 0 : i32
      %dma_wait3A_61 = arith.constant 0 : i32
      %dma_wait3A_62 = tpu.memref_slice %arg3[%add3A, %dma_wait3A, %dma_wait3A_61] : memref<32x125x80xi32, #tpu.memory_space<hbm>> -> memref<1x125x80xi32, #tpu.memory_space<hbm>>
      %dma_wait3A_63 = tpu.memref_squeeze %dma_wait3A_62 : memref<1x125x80xi32, #tpu.memory_space<hbm>> -> memref<125x80xi32, #tpu.memory_space<hbm>>
      %dma_wait3A_64 = arith.constant 0 : i32
      %dma_wait3A_65 = arith.constant 0 : i32
      %dma_wait3A_66 = tpu.memref_slice %arg3[%add3A, %dma_wait3A_64, %dma_wait3A_65] : memref<32x125x80xi32, #tpu.memory_space<hbm>> -> memref<1x125x80xi32, #tpu.memory_space<hbm>>
      %dma_wait3A_67 = tpu.memref_squeeze %dma_wait3A_66 : memref<1x125x80xi32, #tpu.memory_space<hbm>> -> memref<125x80xi32, #tpu.memory_space<hbm>>
      tpu.wait_dma2 semaphore(%run_scoped3A : memref<!tpu.dma_semaphore, #tpu.memory_space<semaphore_mem>>) src(%dma_wait3A_67 : memref<125x80xi32, #tpu.memory_space<hbm>>) dst(%arg9 : memref<125x80xi32, #tpu.memory_space<vmem>>)
      tpu.yield
    }) : () -> ()
    "tpu.region"() ({
      %run_scoped3A = tpu.sem_alloc : memref<!tpu.dma_semaphore, #tpu.memory_space<semaphore_mem>>
      %dma_start3A = arith.constant 0 : i32
      %dma_start3A_54 = arith.constant 0 : i32
      %dma_start3A_55 = tpu.memref_slice %arg4[%add3A, %dma_start3A, %dma_start3A_54] : memref<32x125x80xi32, #tpu.memory_space<hbm>> -> memref<1x125x80xi32, #tpu.memory_space<hbm>>
      %dma_start3A_56 = tpu.memref_squeeze %dma_start3A_55 : memref<1x125x80xi32, #tpu.memory_space<hbm>> -> memref<125x80xi32, #tpu.memory_space<hbm>>
      %dma_start3A_57 = arith.constant 0 : i32
      %dma_start3A_58 = arith.constant 0 : i32
      %dma_start3A_59 = tpu.memref_slice %arg4[%add3A, %dma_start3A_57, %dma_start3A_58] : memref<32x125x80xi32, #tpu.memory_space<hbm>> -> memref<1x125x80xi32, #tpu.memory_space<hbm>>
      %dma_start3A_60 = tpu.memref_squeeze %dma_start3A_59 : memref<1x125x80xi32, #tpu.memory_space<hbm>> -> memref<125x80xi32, #tpu.memory_space<hbm>>
      tpu.enqueue_dma source(%dma_start3A_60 : memref<125x80xi32, #tpu.memory_space<hbm>>) target(%arg10 : memref<125x80xi32, #tpu.memory_space<vmem>>) target_semaphore(%run_scoped3A : memref<!tpu.dma_semaphore, #tpu.memory_space<semaphore_mem>>)
      %dma_wait3A = arith.constant 0 : i32
      %dma_wait3A_61 = arith.constant 0 : i32
      %dma_wait3A_62 = tpu.memref_slice %arg4[%add3A, %dma_wait3A, %dma_wait3A_61] : memref<32x125x80xi32, #tpu.memory_space<hbm>> -> memref<1x125x80xi32, #tpu.memory_space<hbm>>
      %dma_wait3A_63 = tpu.memref_squeeze %dma_wait3A_62 : memref<1x125x80xi32, #tpu.memory_space<hbm>> -> memref<125x80xi32, #tpu.memory_space<hbm>>
      %dma_wait3A_64 = arith.constant 0 : i32
      %dma_wait3A_65 = arith.constant 0 : i32
      %dma_wait3A_66 = tpu.memref_slice %arg4[%add3A, %dma_wait3A_64, %dma_wait3A_65] : memref<32x125x80xi32, #tpu.memory_space<hbm>> -> memref<1x125x80xi32, #tpu.memory_space<hbm>>
      %dma_wait3A_67 = tpu.memref_squeeze %dma_wait3A_66 : memref<1x125x80xi32, #tpu.memory_space<hbm>> -> memref<125x80xi32, #tpu.memory_space<hbm>>
      tpu.wait_dma2 semaphore(%run_scoped3A : memref<!tpu.dma_semaphore, #tpu.memory_space<semaphore_mem>>) src(%dma_wait3A_67 : memref<125x80xi32, #tpu.memory_space<hbm>>) dst(%arg10 : memref<125x80xi32, #tpu.memory_space<vmem>>)
      tpu.yield
    }) : () -> ()
    %broadcast_in_dim3A = arith.constant 1.000000e+00 : f32
    %broadcast_in_dim3A_5 = vector.broadcast %broadcast_in_dim3A : f32 to vector<16xf32>
    %swap3A = arith.constant 0 : i32
    %swap3A_6 = arith.index_cast %swap3A : i32 to index
    %swap3A_7 = arith.constant 0 : index
    %swap3A_8 = tpu.vector_load %arg11[%swap3A_6, %swap3A_7] {strides = array<i32>} : memref<80x128xf32, #tpu.memory_space<vmem>>, vector<1x16xf32>,
    %swap3A_9 = vector.shape_cast %swap3A_8 : vector<1x16xf32> to vector<16xf32>
    %swap3A_10 = vector.shape_cast %broadcast_in_dim3A_5 : vector<16xf32> to vector<1x16xf32>
    tpu.vector_store %arg11[%swap3A_6, %swap3A_7], %swap3A_10 {strides = array<i32>} : memref<80x128xf32, #tpu.memory_space<vmem>>, vector<1x16xf32>,
    %swap3A_11 = arith.constant 0 : i32
    %swap3A_12 = arith.index_cast %swap3A_11 : i32 to index
    %swap3A_13 = arith.constant 16 : index
    %swap3A_14 = tpu.vector_load %arg11[%swap3A_12, %swap3A_13] {strides = array<i32>} : memref<80x128xf32, #tpu.memory_space<vmem>>, vector<1x16xf32>,
    %swap3A_15 = vector.shape_cast %swap3A_14 : vector<1x16xf32> to vector<16xf32>
    %swap3A_16 = vector.shape_cast %broadcast_in_dim3A_5 : vector<16xf32> to vector<1x16xf32>
    tpu.vector_store %arg11[%swap3A_12, %swap3A_13], %swap3A_16 {strides = array<i32>} : memref<80x128xf32, #tpu.memory_space<vmem>>, vector<1x16xf32>,
    %swap3A_17 = arith.constant 0 : i32
    %swap3A_18 = arith.index_cast %swap3A_17 : i32 to index
    %swap3A_19 = arith.constant 32 : index
    %swap3A_20 = tpu.vector_load %arg11[%swap3A_18, %swap3A_19] {strides = array<i32>} : memref<80x128xf32, #tpu.memory_space<vmem>>, vector<1x16xf32>,
    %swap3A_21 = vector.shape_cast %swap3A_20 : vector<1x16xf32> to vector<16xf32>
    %swap3A_22 = vector.shape_cast %broadcast_in_dim3A_5 : vector<16xf32> to vector<1x16xf32>
    tpu.vector_store %arg11[%swap3A_18, %swap3A_19], %swap3A_22 {strides = array<i32>} : memref<80x128xf32, #tpu.memory_space<vmem>>, vector<1x16xf32>,
    %swap3A_23 = arith.constant 0 : i32
    %swap3A_24 = arith.index_cast %swap3A_23 : i32 to index
    %swap3A_25 = arith.constant 48 : index
    %swap3A_26 = tpu.vector_load %arg11[%swap3A_24, %swap3A_25] {strides = array<i32>} : memref<80x128xf32, #tpu.memory_space<vmem>>, vector<1x16xf32>,
    %swap3A_27 = vector.shape_cast %swap3A_26 : vector<1x16xf32> to vector<16xf32>
    %swap3A_28 = vector.shape_cast %broadcast_in_dim3A_5 : vector<16xf32> to vector<1x16xf32>
    tpu.vector_store %arg11[%swap3A_24, %swap3A_25], %swap3A_28 {strides = array<i32>} : memref<80x128xf32, #tpu.memory_space<vmem>>, vector<1x16xf32>,
    %swap3A_29 = arith.constant 0 : i32
    %swap3A_30 = arith.index_cast %swap3A_29 : i32 to index
    %swap3A_31 = arith.constant 64 : index
    %swap3A_32 = tpu.vector_load %arg11[%swap3A_30, %swap3A_31] {strides = array<i32>} : memref<80x128xf32, #tpu.memory_space<vmem>>, vector<1x16xf32>,
    %swap3A_33 = vector.shape_cast %swap3A_32 : vector<1x16xf32> to vector<16xf32>
    %swap3A_34 = vector.shape_cast %broadcast_in_dim3A_5 : vector<16xf32> to vector<1x16xf32>
    tpu.vector_store %arg11[%swap3A_30, %swap3A_31], %swap3A_34 {strides = array<i32>} : memref<80x128xf32, #tpu.memory_space<vmem>>, vector<1x16xf32>,
    %scan3A = arith.constant 0 : i32
    %scan3A_35 = arith.constant 0 : i32
    %scan3A_36 = arith.constant 125 : i32
    %scan3A_37 = arith.addi %scan3A_35, %scan3A_36 : i32
    %scan3A_38 = arith.constant 1 : i32
    scf.for %scan3A_54 = %scan3A_35 to %scan3A_37 step %scan3A_38  : i32 {
      %run_scoped3A = arith.constant 0 : i32
      "tpu.region"() ({
        %run_scoped3A_55 = tpu.sem_alloc : memref<!tpu.dma_semaphore, #tpu.memory_space<semaphore_mem>>
        %dma_start3A = arith.constant 0 : i32
        %dma_start3A_56 = tpu.memref_slice %arg11[%run_scoped3A, %dma_start3A] : memref<80x128xf32, #tpu.memory_space<vmem>> -> memref<1x80xf32, #tpu.memory_space<vmem>>
        %dma_start3A_57 = tpu.memref_squeeze %dma_start3A_56 : memref<1x80xf32, #tpu.memory_space<vmem>> -> memref<80xf32, #tpu.memory_space<vmem>>
        %dma_start3A_58 = arith.constant 0 : i32
        %dma_start3A_59 = tpu.memref_slice %arg10[%scan3A_54, %dma_start3A_58] : memref<125x80xi32, #tpu.memory_space<vmem>> -> memref<1x80xi32, #tpu.memory_space<vmem>>
        %dma_start3A_60 = tpu.memref_squeeze %dma_start3A_59 : memref<1x80xi32, #tpu.memory_space<vmem>> -> memref<80xi32, #tpu.memory_space<vmem>>
        %dma_start3A_61 = arith.constant 0 : i32
        %dma_start3A_62 = tpu.memref_slice %arg13[%dma_start3A_61] : memref<10000xf32, #tpu.memory_space<vmem_shared>> -> memref<10000xf32, #tpu.memory_space<vmem_shared>>
        tpu.enqueue_indirect_dma source(%dma_start3A_57 : memref<80xf32, #tpu.memory_space<vmem>>) target(%dma_start3A_62 : memref<10000xf32, #tpu.memory_space<vmem_shared>>) offsets(%dma_start3A_60 : memref<80xi32, #tpu.memory_space<vmem>>) semaphore(%run_scoped3A_55 : memref<!tpu.dma_semaphore, #tpu.memory_space<semaphore_mem>>) {add = true}
        %dma_wait3A = arith.constant 0 : i32
        %dma_wait3A_63 = tpu.memref_slice %arg11[%run_scoped3A, %dma_wait3A] : memref<80x128xf32, #tpu.memory_space<vmem>> -> memref<1x80xf32, #tpu.memory_space<vmem>>
        %dma_wait3A_64 = tpu.memref_squeeze %dma_wait3A_63 : memref<1x80xf32, #tpu.memory_space<vmem>> -> memref<80xf32, #tpu.memory_space<vmem>>
        %dma_wait3A_65 = arith.constant 0 : i32
        %dma_wait3A_66 = tpu.memref_slice %arg10[%scan3A_54, %dma_wait3A_65] : memref<125x80xi32, #tpu.memory_space<vmem>> -> memref<1x80xi32, #tpu.memory_space<vmem>>
        %dma_wait3A_67 = tpu.memref_squeeze %dma_wait3A_66 : memref<1x80xi32, #tpu.memory_space<vmem>> -> memref<80xi32, #tpu.memory_space<vmem>>
        %dma_wait3A_68 = arith.constant 0 : i32
        %dma_wait3A_69 = tpu.memref_slice %arg13[%dma_wait3A_68] : memref<10000xf32, #tpu.memory_space<vmem_shared>> -> memref<10000xf32, #tpu.memory_space<vmem_shared>>
        tpu.wait_indirect_dma semaphore(%run_scoped3A_55 : memref<!tpu.dma_semaphore, #tpu.memory_space<semaphore_mem>>) src(%dma_wait3A_64 : memref<80xf32, #tpu.memory_space<vmem>>) dst(%dma_wait3A_69 : memref<10000xf32, #tpu.memory_space<vmem_shared>>)
        tpu.yield
      }) : () -> ()
    }
    %scan3A_39 = arith.constant 125 : i32
    %scan3A_40 = arith.constant 0 : i32
    %scan3A_41 = arith.constant 0 : i32
    %scan3A_42 = arith.constant 125 : i32
    %scan3A_43 = arith.addi %scan3A_41, %scan3A_42 : i32
    %scan3A_44 = arith.constant 1 : i32
    scf.for %scan3A_54 = %scan3A_41 to %scan3A_43 step %scan3A_44  : i32 {
      %dma_start3A = arith.constant 0 : i32
      %dma_start3A_55 = tpu.memref_slice %arg9[%scan3A_54, %dma_start3A] : memref<125x80xi32, #tpu.memory_space<vmem>> -> memref<1x80xi32, #tpu.memory_space<vmem>>
      %dma_start3A_56 = tpu.memref_squeeze %dma_start3A_55 : memref<1x80xi32, #tpu.memory_space<vmem>> -> memref<80xi32, #tpu.memory_space<vmem>>
      %dma_start3A_57 = arith.constant 0 : i32
      %dma_start3A_58 = arith.constant 0 : i32
      %dma_start3A_59 = tpu.memref_slice %arg2[%dma_start3A_57, %dma_start3A_58] : memref<10000x128xf32, #tpu.memory_space<hbm>> -> memref<10000x128xf32, #tpu.memory_space<hbm>>
      tpu.enqueue_indirect_dma source(%dma_start3A_59 : memref<10000x128xf32, #tpu.memory_space<hbm>>) target(%arg11 : memref<80x128xf32, #tpu.memory_space<vmem>>) offsets(%dma_start3A_56 : memref<80xi32, #tpu.memory_space<vmem>>) semaphore(%arg15 : memref<!tpu.dma_semaphore, #tpu.memory_space<semaphore_mem>>)
      %dma_wait3A = arith.constant 0 : i32
      %dma_wait3A_60 = tpu.memref_slice %arg9[%scan3A_54, %dma_wait3A] : memref<125x80xi32, #tpu.memory_space<vmem>> -> memref<1x80xi32, #tpu.memory_space<vmem>>
      %dma_wait3A_61 = tpu.memref_squeeze %dma_wait3A_60 : memref<1x80xi32, #tpu.memory_space<vmem>> -> memref<80xi32, #tpu.memory_space<vmem>>
      %dma_wait3A_62 = arith.constant 0 : i32
      %dma_wait3A_63 = arith.constant 0 : i32
      %dma_wait3A_64 = tpu.memref_slice %arg2[%dma_wait3A_62, %dma_wait3A_63] : memref<10000x128xf32, #tpu.memory_space<hbm>> -> memref<10000x128xf32, #tpu.memory_space<hbm>>
      tpu.wait_indirect_dma semaphore(%arg15 : memref<!tpu.dma_semaphore, #tpu.memory_space<semaphore_mem>>) src(%dma_wait3A_64 : memref<10000x128xf32, #tpu.memory_space<hbm>>) dst(%arg11 : memref<80x128xf32, #tpu.memory_space<vmem>>)
      "tpu.region"() ({
        %run_scoped3A = tpu.sem_alloc : memref<!tpu.dma_semaphore, #tpu.memory_space<semaphore_mem>>
        %dma_start3A_65 = arith.constant 0 : i32
        %dma_start3A_66 = tpu.memref_slice %arg10[%scan3A_54, %dma_start3A_65] : memref<125x80xi32, #tpu.memory_space<vmem>> -> memref<1x80xi32, #tpu.memory_space<vmem>>
        %dma_start3A_67 = tpu.memref_squeeze %dma_start3A_66 : memref<1x80xi32, #tpu.memory_space<vmem>> -> memref<80xi32, #tpu.memory_space<vmem>>
        %dma_start3A_68 = arith.constant 0 : i32
        %dma_start3A_69 = arith.constant 0 : i32
        %dma_start3A_70 = tpu.memref_slice %arg12[%dma_start3A_68, %dma_start3A_69] : memref<10000x128xf32, #tpu.memory_space<vmem_shared>> -> memref<10000x128xf32, #tpu.memory_space<vmem_shared>>
        tpu.enqueue_indirect_dma source(%arg11 : memref<80x128xf32, #tpu.memory_space<vmem>>) target(%dma_start3A_70 : memref<10000x128xf32, #tpu.memory_space<vmem_shared>>) offsets(%dma_start3A_67 : memref<80xi32, #tpu.memory_space<vmem>>) semaphore(%run_scoped3A : memref<!tpu.dma_semaphore, #tpu.memory_space<semaphore_mem>>) {add = true}
        %dma_wait3A_71 = arith.constant 0 : i32
        %dma_wait3A_72 = tpu.memref_slice %arg10[%scan3A_54, %dma_wait3A_71] : memref<125x80xi32, #tpu.memory_space<vmem>> -> memref<1x80xi32, #tpu.memory_space<vmem>>
        %dma_wait3A_73 = tpu.memref_squeeze %dma_wait3A_72 : memref<1x80xi32, #tpu.memory_space<vmem>> -> memref<80xi32, #tpu.memory_space<vmem>>
        %dma_wait3A_74 = arith.constant 0 : i32
        %dma_wait3A_75 = arith.constant 0 : i32
        %dma_wait3A_76 = tpu.memref_slice %arg12[%dma_wait3A_74, %dma_wait3A_75] : memref<10000x128xf32, #tpu.memory_space<vmem_shared>> -> memref<10000x128xf32, #tpu.memory_space<vmem_shared>>
        tpu.wait_indirect_dma semaphore(%run_scoped3A : memref<!tpu.dma_semaphore, #tpu.memory_space<semaphore_mem>>) src(%arg11 : memref<80x128xf32, #tpu.memory_space<vmem>>) dst(%dma_wait3A_76 : memref<10000x128xf32, #tpu.memory_space<vmem_shared>>)
        tpu.yield
      }) : () -> ()
    }
    %scan3A_45 = arith.constant 125 : i32
    %barrier3A_46 = arith.constant 0 : index
    tpu.barrier barrier_id(%barrier3A_46)
    %mul3A_47 = arith.constant 625 : i32
    %mul3A_48 = arith.muli %arg1, %mul3A_47 : i32
    "tpu.region"() ({
      %run_scoped3A = tpu.sem_alloc : memref<!tpu.dma_semaphore, #tpu.memory_space<semaphore_mem>>
      %dma_start3A = arith.constant 0 : i32
      %dma_start3A_54 = arith.constant 0 : i32
      %dma_start3A_55 = tpu.memref_slice %arg7[%arg0, %arg1, %dma_start3A, %dma_start3A_54] : memref<2x16x625x128xf32, #tpu.memory_space<hbm>> -> memref<1x1x625x128xf32, #tpu.memory_space<hbm>>
      %dma_start3A_56 = tpu.memref_squeeze %dma_start3A_55 : memref<1x1x625x128xf32, #tpu.memory_space<hbm>> -> memref<625x128xf32, #tpu.memory_space<hbm>>
      %dma_start3A_57 = arith.constant 0 : i32
      %dma_start3A_58 = tpu.memref_slice %arg12[%mul3A_48, %dma_start3A_57] : memref<10000x128xf32, #tpu.memory_space<vmem_shared>> -> memref<625x128xf32, #tpu.memory_space<vmem_shared>>
      tpu.enqueue_dma source(%dma_start3A_58 : memref<625x128xf32, #tpu.memory_space<vmem_shared>>) target(%dma_start3A_56 : memref<625x128xf32, #tpu.memory_space<hbm>>) target_semaphore(%run_scoped3A : memref<!tpu.dma_semaphore, #tpu.memory_space<semaphore_mem>>)
      %dma_wait3A = arith.constant 0 : i32
      %dma_wait3A_59 = arith.constant 0 : i32
      %dma_wait3A_60 = tpu.memref_slice %arg7[%arg0, %arg1, %dma_wait3A, %dma_wait3A_59] : memref<2x16x625x128xf32, #tpu.memory_space<hbm>> -> memref<1x1x625x128xf32, #tpu.memory_space<hbm>>
      %dma_wait3A_61 = tpu.memref_squeeze %dma_wait3A_60 : memref<1x1x625x128xf32, #tpu.memory_space<hbm>> -> memref<625x128xf32, #tpu.memory_space<hbm>>
      %dma_wait3A_62 = arith.constant 0 : i32
      %dma_wait3A_63 = tpu.memref_slice %arg12[%mul3A_48, %dma_wait3A_62] : memref<10000x128xf32, #tpu.memory_space<vmem_shared>> -> memref<625x128xf32, #tpu.memory_space<vmem_shared>>
      tpu.wait_dma2 semaphore(%run_scoped3A : memref<!tpu.dma_semaphore, #tpu.memory_space<semaphore_mem>>) src(%dma_wait3A_63 : memref<625x128xf32, #tpu.memory_space<vmem_shared>>) dst(%dma_wait3A_61 : memref<625x128xf32, #tpu.memory_space<hbm>>)
      tpu.yield
    }) : () -> ()
    %lt3A_49 = arith.constant 5 : i32
    %lt3A_50 = arith.cmpi slt, %arg1, %lt3A_49 : i32
    %convert_element_type3A_51 = arith.extui %lt3A_50 : i1 to i32
    %cond3A_52 = arith.constant 0 : i32
    %cond3A_53 = arith.cmpi ne, %convert_element_type3A_51, %cond3A_52 : i32
    scf.if %cond3A_53 {
      %mul3A_54 = arith.constant 2000 : i32
      %mul3A_55 = arith.muli %arg1, %mul3A_54 : i32
      "tpu.region"() ({
        %run_scoped3A = tpu.sem_alloc : memref<!tpu.dma_semaphore, #tpu.memory_space<semaphore_mem>>
        %dma_start3A = tpu.memref_slice %arg13[%mul3A_55] : memref<10000xf32, #tpu.memory_space<vmem_shared>> -> memref<2000xf32, #tpu.memory_space<vmem_shared>>
        %dma_start3A_56 = tpu.memref_slice %arg13[%mul3A_55] : memref<10000xf32, #tpu.memory_space<vmem_shared>> -> memref<2000xf32, #tpu.memory_space<vmem_shared>>
        tpu.enqueue_dma source(%dma_start3A_56 : memref<2000xf32, #tpu.memory_space<vmem_shared>>) target(%arg14 : memref<2000xf32, #tpu.memory_space<vmem>>) target_semaphore(%run_scoped3A : memref<!tpu.dma_semaphore, #tpu.memory_space<semaphore_mem>>)
        %dma_wait3A = tpu.memref_slice %arg13[%mul3A_55] : memref<10000xf32, #tpu.memory_space<vmem_shared>> -> memref<2000xf32, #tpu.memory_space<vmem_shared>>
        %dma_wait3A_57 = tpu.memref_slice %arg13[%mul3A_55] : memref<10000xf32, #tpu.memory_space<vmem_shared>> -> memref<2000xf32, #tpu.memory_space<vmem_shared>>
        tpu.wait_dma2 semaphore(%run_scoped3A : memref<!tpu.dma_semaphore, #tpu.memory_space<semaphore_mem>>) src(%dma_wait3A_57 : memref<2000xf32, #tpu.memory_space<vmem_shared>>) dst(%arg14 : memref<2000xf32, #tpu.memory_space<vmem>>)
        tpu.yield
      }) : () -> ()
      "tpu.region"() ({
        %run_scoped3A = tpu.sem_alloc : memref<!tpu.dma_semaphore, #tpu.memory_space<semaphore_mem>>
        %dma_start3A = arith.constant 0 : i32
        %dma_start3A_56 = tpu.memref_slice %arg8[%arg0, %arg1, %dma_start3A] : memref<2x5x2000xf32, #tpu.memory_space<hbm>> -> memref<1x1x2000xf32, #tpu.memory_space<hbm>>
        %dma_start3A_57 = tpu.memref_squeeze %dma_start3A_56 : memref<1x1x2000xf32, #tpu.memory_space<hbm>> -> memref<2000xf32, #tpu.memory_space<hbm>>
        %dma_start3A_58 = arith.constant 0 : i32
        %dma_start3A_59 = tpu.memref_slice %arg8[%arg0, %arg1, %dma_start3A_58] : memref<2x5x2000xf32, #tpu.memory_space<hbm>> -> memref<1x1x2000xf32, #tpu.memory_space<hbm>>
        %dma_start3A_60 = tpu.memref_squeeze %dma_start3A_59 : memref<1x1x2000xf32, #tpu.memory_space<hbm>> -> memref<2000xf32, #tpu.memory_space<hbm>>
        tpu.enqueue_dma source(%arg14 : memref<2000xf32, #tpu.memory_space<vmem>>) target(%dma_start3A_60 : memref<2000xf32, #tpu.memory_space<hbm>>) target_semaphore(%run_scoped3A : memref<!tpu.dma_semaphore, #tpu.memory_space<semaphore_mem>>)
        %dma_wait3A = arith.constant 0 : i32
        %dma_wait3A_61 = tpu.memref_slice %arg8[%arg0, %arg1, %dma_wait3A] : memref<2x5x2000xf32, #tpu.memory_space<hbm>> -> memref<1x1x2000xf32, #tpu.memory_space<hbm>>
        %dma_wait3A_62 = tpu.memref_squeeze %dma_wait3A_61 : memref<1x1x2000xf32, #tpu.memory_space<hbm>> -> memref<2000xf32, #tpu.memory_space<hbm>>
        %dma_wait3A_63 = arith.constant 0 : i32
        %dma_wait3A_64 = tpu.memref_slice %arg8[%arg0, %arg1, %dma_wait3A_63] : memref<2x5x2000xf32, #tpu.memory_space<hbm>> -> memref<1x1x2000xf32, #tpu.memory_space<hbm>>
        %dma_wait3A_65 = tpu.memref_squeeze %dma_wait3A_64 : memref<1x1x2000xf32, #tpu.memory_space<hbm>> -> memref<2000xf32, #tpu.memory_space<hbm>>
        tpu.wait_dma2 semaphore(%run_scoped3A : memref<!tpu.dma_semaphore, #tpu.memory_space<semaphore_mem>>) src(%arg14 : memref<2000xf32, #tpu.memory_space<vmem>>) dst(%dma_wait3A_65 : memref<2000xf32, #tpu.memory_space<hbm>>)
        tpu.yield
      }) : () -> ()
    } else {
    }
    return
  }
}

module attributes {stable_mosaic.version = 14 : i64} {
  func.func @_tc_layer_body(%arg0: memref<2x10000x128xf32, #tpu.memory_space<vmem>>, %arg1: memref<2x10000x1xf32, #tpu.memory_space<vmem>>, %arg2: memref<10000x128xf32, #tpu.memory_space<vmem>>, %arg3: memref<128x128xf32, #tpu.memory_space<vmem>>, %arg4: memref<1x128xf32, #tpu.memory_space<vmem>>, %arg5: memref<128x128xf32, #tpu.memory_space<vmem>>, %arg6: memref<1x128xf32, #tpu.memory_space<vmem>>, %arg7: memref<1x128xf32, #tpu.memory_space<vmem>>, %arg8: memref<1x128xf32, #tpu.memory_space<vmem>>, %arg9: memref<10000x128xf32, #tpu.memory_space<vmem>>) attributes {dimension_semantics = [], scalar_prefetch = 0 : i64, scratch_operands = 0 : i64, tpu.core_type = #tpu.core_type<tc>} {
    %get3A = arith.constant 0 : index
    %get3A_0 = arith.constant 0 : index
    %get3A_1 = arith.constant 0 : index
    %get3A_2 = vector.load %arg0[%get3A, %get3A_0, %get3A_1] : memref<2x10000x128xf32, #tpu.memory_space<vmem>>, vector<1x10000x128xf32>
    %get3A_3 = vector.shape_cast %get3A_2 : vector<1x10000x128xf32> to vector<10000x128xf32>
    %get3A_4 = arith.constant 1 : index
    %get3A_5 = arith.constant 0 : index
    %get3A_6 = arith.constant 0 : index
    %get3A_7 = vector.load %arg0[%get3A_4, %get3A_5, %get3A_6] : memref<2x10000x128xf32, #tpu.memory_space<vmem>>, vector<1x10000x128xf32>
    %get3A_8 = vector.shape_cast %get3A_7 : vector<1x10000x128xf32> to vector<10000x128xf32>
    %add3A = arith.addf %get3A_3, %get3A_8 : vector<10000x128xf32>
    %get3A_9 = arith.constant 0 : index
    %get3A_10 = arith.constant 0 : index
    %get3A_11 = arith.constant 0 : index
    %get3A_12 = vector.load %arg1[%get3A_9, %get3A_10, %get3A_11] : memref<2x10000x1xf32, #tpu.memory_space<vmem>>, vector<1x10000x1xf32>
    %get3A_13 = vector.shape_cast %get3A_12 : vector<1x10000x1xf32> to vector<10000x1xf32>
    %get3A_14 = arith.constant 1 : index
    %get3A_15 = arith.constant 0 : index
    %get3A_16 = arith.constant 0 : index
    %get3A_17 = vector.load %arg1[%get3A_14, %get3A_15, %get3A_16] : memref<2x10000x1xf32, #tpu.memory_space<vmem>>, vector<1x10000x1xf32>
    %get3A_18 = vector.shape_cast %get3A_17 : vector<1x10000x1xf32> to vector<10000x1xf32>
    %add3A_19 = arith.addf %get3A_13, %get3A_18 : vector<10000x1xf32>
    %max3A = arith.constant 1.000000e+00 : f32
    %max3A_20 = vector.broadcast %max3A : f32 to vector<10000x1xf32>
    %max3A_21 = arith.maximumf %add3A_19, %max3A_20 : vector<10000x1xf32>
    %div3A = vector.broadcast %max3A_21 : vector<10000x1xf32> to vector<10000x128xf32>
    %div3A_22 = arith.divf %add3A, %div3A : vector<10000x128xf32>
    %get3A_23 = arith.constant 0 : index
    %get3A_24 = arith.constant 0 : index
    %get3A_25 = vector.load %arg3[%get3A_23, %get3A_24] : memref<128x128xf32, #tpu.memory_space<vmem>>, vector<128x128xf32>
    %dot_general3A = arith.constant dense<0.000000e+00> : vector<10000x128xf32>
    %dot_general3A_26 = tpu.matmul %div3A_22, %get3A_25, %dot_general3A {dimension_numbers = #tpu.dot_dimension_numbers<[1], [0], [0], [1], [0, 0, 1, 1], [], []>, transpose_lhs_hint = false} : vector<10000x128xf32>, vector<128x128xf32>, vector<10000x128xf32> -> vector<10000x128xf32>
    %get3A_27 = arith.constant 0 : index
    %get3A_28 = arith.constant 0 : index
    %get3A_29 = vector.load %arg4[%get3A_27, %get3A_28] : memref<1x128xf32, #tpu.memory_space<vmem>>, vector<1x128xf32>
    %add3A_30 = vector.broadcast %get3A_29 : vector<1x128xf32> to vector<10000x128xf32>
    %add3A_31 = arith.addf %dot_general3A_26, %add3A_30 : vector<10000x128xf32>
    %get3A_32 = arith.constant 0 : index
    %get3A_33 = arith.constant 0 : index
    %get3A_34 = vector.load %arg2[%get3A_32, %get3A_33] : memref<10000x128xf32, #tpu.memory_space<vmem>>, vector<10000x128xf32>
    %get3A_35 = arith.constant 0 : index
    %get3A_36 = arith.constant 0 : index
    %get3A_37 = vector.load %arg5[%get3A_35, %get3A_36] : memref<128x128xf32, #tpu.memory_space<vmem>>, vector<128x128xf32>
    %dot_general3A_38 = arith.constant dense<0.000000e+00> : vector<10000x128xf32>
    %dot_general3A_39 = tpu.matmul %get3A_34, %get3A_37, %dot_general3A_38 {dimension_numbers = #tpu.dot_dimension_numbers<[1], [0], [0], [1], [0, 0, 1, 1], [], []>, transpose_lhs_hint = false} : vector<10000x128xf32>, vector<128x128xf32>, vector<10000x128xf32> -> vector<10000x128xf32>
    %add3A_40 = arith.addf %add3A_31, %dot_general3A_39 : vector<10000x128xf32>
    %reduce_sum3A = arith.constant dense<0.000000e+00> : vector<128xf32>
    %reduce_sum3A_41 = vector.multi_reduction <add>, %add3A_40, %reduce_sum3A [0] : vector<10000x128xf32> to vector<128xf32>
    %broadcast_in_dim3A = vector.shape_cast %reduce_sum3A_41 : vector<128xf32> to vector<1x128xf32>
    %div3A_42 = arith.constant 1.000000e+04 : f32
    %div3A_43 = vector.broadcast %div3A_42 : f32 to vector<1x128xf32>
    %div3A_44 = arith.divf %broadcast_in_dim3A, %div3A_43 : vector<1x128xf32>
    %get3A_45 = arith.constant 0 : index
    %get3A_46 = arith.constant 0 : index
    %get3A_47 = vector.load %arg8[%get3A_45, %get3A_46] : memref<1x128xf32, #tpu.memory_space<vmem>>, vector<1x128xf32>
    %mul3A = arith.mulf %get3A_47, %div3A_44 : vector<1x128xf32>
    %sub3A = vector.broadcast %mul3A : vector<1x128xf32> to vector<10000x128xf32>
    %sub3A_48 = arith.subf %add3A_40, %sub3A : vector<10000x128xf32>
    %mul3A_49 = arith.mulf %sub3A_48, %sub3A_48 : vector<10000x128xf32>
    %reduce_sum3A_50 = arith.constant dense<0.000000e+00> : vector<128xf32>
    %reduce_sum3A_51 = vector.multi_reduction <add>, %mul3A_49, %reduce_sum3A_50 [0] : vector<10000x128xf32> to vector<128xf32>
    %broadcast_in_dim3A_52 = vector.shape_cast %reduce_sum3A_51 : vector<128xf32> to vector<1x128xf32>
    %div3A_53 = arith.constant 1.000000e+04 : f32
    %div3A_54 = vector.broadcast %div3A_53 : f32 to vector<1x128xf32>
    %div3A_55 = arith.divf %broadcast_in_dim3A_52, %div3A_54 : vector<1x128xf32>
    %get3A_56 = arith.constant 0 : index
    %get3A_57 = arith.constant 0 : index
    %get3A_58 = vector.load %arg6[%get3A_56, %get3A_57] : memref<1x128xf32, #tpu.memory_space<vmem>>, vector<1x128xf32>
    %mul3A_59 = vector.broadcast %get3A_58 : vector<1x128xf32> to vector<10000x128xf32>
    %mul3A_60 = arith.mulf %mul3A_59, %sub3A_48 : vector<10000x128xf32>
    %add3A_61 = arith.constant 9.99999974E-6 : f32
    %add3A_62 = vector.broadcast %add3A_61 : f32 to vector<1x128xf32>
    %add3A_63 = arith.addf %div3A_55, %add3A_62 : vector<1x128xf32>
    %rsqrt3A = math.rsqrt %add3A_63 : vector<1x128xf32>
    %mul3A_64 = vector.broadcast %rsqrt3A : vector<1x128xf32> to vector<10000x128xf32>
    %mul3A_65 = arith.mulf %mul3A_60, %mul3A_64 : vector<10000x128xf32>
    %get3A_66 = arith.constant 0 : index
    %get3A_67 = arith.constant 0 : index
    %get3A_68 = vector.load %arg7[%get3A_66, %get3A_67] : memref<1x128xf32, #tpu.memory_space<vmem>>, vector<1x128xf32>
    %add3A_69 = vector.broadcast %get3A_68 : vector<1x128xf32> to vector<10000x128xf32>
    %add3A_70 = arith.addf %mul3A_65, %add3A_69 : vector<10000x128xf32>
    %max3A_71 = arith.constant 0.000000e+00 : f32
    %max3A_72 = vector.broadcast %max3A_71 : f32 to vector<10000x128xf32>
    %max3A_73 = arith.maximumf %add3A_70, %max3A_72 : vector<10000x128xf32>
    %swap3A = arith.constant 0 : index
    %swap3A_74 = arith.constant 0 : index
    %swap3A_75 = vector.load %arg9[%swap3A, %swap3A_74] : memref<10000x128xf32, #tpu.memory_space<vmem>>, vector<10000x128xf32>
    tpu.vector_store %arg9[%swap3A, %swap3A_74], %max3A_73 {strides = array<i32>} : memref<10000x128xf32, #tpu.memory_space<vmem>>, vector<10000x128xf32>,
    return
  }
}

module attributes {stable_mosaic.version = 14 : i64} {
  func.func @_tc_heads_body(%arg0: memref<8192x128xf32, #tpu.memory_space<vmem>>, %arg1: memref<128x256xf32, #tpu.memory_space<vmem>>, %arg2: memref<1x256xf32, #tpu.memory_space<vmem>>, %arg3: memref<256x12xf32, #tpu.memory_space<vmem>>, %arg4: memref<1x12xf32, #tpu.memory_space<vmem>>, %arg5: memref<128x256xf32, #tpu.memory_space<vmem>>, %arg6: memref<1x256xf32, #tpu.memory_space<vmem>>, %arg7: memref<256x18xf32, #tpu.memory_space<vmem>>, %arg8: memref<1x18xf32, #tpu.memory_space<vmem>>, %arg9: memref<128x256xf32, #tpu.memory_space<vmem>>, %arg10: memref<1x256xf32, #tpu.memory_space<vmem>>, %arg11: memref<256x9xf32, #tpu.memory_space<vmem>>, %arg12: memref<1x9xf32, #tpu.memory_space<vmem>>, %arg13: memref<8192x12xf32, #tpu.memory_space<vmem>>, %arg14: memref<8192x18xf32, #tpu.memory_space<vmem>>, %arg15: memref<8192x9xf32, #tpu.memory_space<vmem>>) attributes {dimension_semantics = [], scalar_prefetch = 0 : i64, scratch_operands = 0 : i64, tpu.core_type = #tpu.core_type<tc>} {
    %get3A = arith.constant 0 : index
    %get3A_0 = arith.constant 0 : index
    %get3A_1 = vector.load %arg0[%get3A, %get3A_0] : memref<8192x128xf32, #tpu.memory_space<vmem>>, vector<8192x128xf32>
    %get3A_2 = arith.constant 0 : index
    %get3A_3 = arith.constant 0 : index
    %get3A_4 = vector.load %arg1[%get3A_2, %get3A_3] : memref<128x256xf32, #tpu.memory_space<vmem>>, vector<128x256xf32>
    %dot_general3A = arith.constant dense<0.000000e+00> : vector<8192x256xf32>
    %dot_general3A_5 = tpu.matmul %get3A_1, %get3A_4, %dot_general3A {dimension_numbers = #tpu.dot_dimension_numbers<[1], [0], [0], [1], [0, 0, 1, 1], [], []>, transpose_lhs_hint = false} : vector<8192x128xf32>, vector<128x256xf32>, vector<8192x256xf32> -> vector<8192x256xf32>
    %get3A_6 = arith.constant 0 : index
    %get3A_7 = arith.constant 0 : index
    %get3A_8 = vector.load %arg2[%get3A_6, %get3A_7] : memref<1x256xf32, #tpu.memory_space<vmem>>, vector<1x256xf32>
    %add3A = vector.broadcast %get3A_8 : vector<1x256xf32> to vector<8192x256xf32>
    %add3A_9 = arith.addf %dot_general3A_5, %add3A : vector<8192x256xf32>
    %max3A = arith.constant 0.000000e+00 : f32
    %max3A_10 = vector.broadcast %max3A : f32 to vector<8192x256xf32>
    %max3A_11 = arith.maximumf %add3A_9, %max3A_10 : vector<8192x256xf32>
    %get3A_12 = arith.constant 0 : index
    %get3A_13 = arith.constant 0 : index
    %get3A_14 = vector.load %arg3[%get3A_12, %get3A_13] : memref<256x12xf32, #tpu.memory_space<vmem>>, vector<256x12xf32>
    %dot_general3A_15 = arith.constant dense<0.000000e+00> : vector<8192x12xf32>
    %dot_general3A_16 = tpu.matmul %max3A_11, %get3A_14, %dot_general3A_15 {dimension_numbers = #tpu.dot_dimension_numbers<[1], [0], [0], [1], [0, 0, 1, 1], [], []>, transpose_lhs_hint = false} : vector<8192x256xf32>, vector<256x12xf32>, vector<8192x12xf32> -> vector<8192x12xf32>
    %get3A_17 = arith.constant 0 : index
    %get3A_18 = arith.constant 0 : index
    %get3A_19 = vector.load %arg4[%get3A_17, %get3A_18] : memref<1x12xf32, #tpu.memory_space<vmem>>, vector<1x12xf32>
    %add3A_20 = vector.broadcast %get3A_19 : vector<1x12xf32> to vector<8192x12xf32>
    %add3A_21 = arith.addf %dot_general3A_16, %add3A_20 : vector<8192x12xf32>
    %swap3A = arith.constant 0 : index
    %swap3A_22 = arith.constant 0 : index
    %swap3A_23 = vector.load %arg13[%swap3A, %swap3A_22] : memref<8192x12xf32, #tpu.memory_space<vmem>>, vector<8192x12xf32>
    tpu.vector_store %arg13[%swap3A, %swap3A_22], %add3A_21 {strides = array<i32>} : memref<8192x12xf32, #tpu.memory_space<vmem>>, vector<8192x12xf32>,
    %get3A_24 = arith.constant 0 : index
    %get3A_25 = arith.constant 0 : index
    %get3A_26 = vector.load %arg5[%get3A_24, %get3A_25] : memref<128x256xf32, #tpu.memory_space<vmem>>, vector<128x256xf32>
    %dot_general3A_27 = arith.constant dense<0.000000e+00> : vector<8192x256xf32>
    %dot_general3A_28 = tpu.matmul %get3A_1, %get3A_26, %dot_general3A_27 {dimension_numbers = #tpu.dot_dimension_numbers<[1], [0], [0], [1], [0, 0, 1, 1], [], []>, transpose_lhs_hint = false} : vector<8192x128xf32>, vector<128x256xf32>, vector<8192x256xf32> -> vector<8192x256xf32>
    %get3A_29 = arith.constant 0 : index
    %get3A_30 = arith.constant 0 : index
    %get3A_31 = vector.load %arg6[%get3A_29, %get3A_30] : memref<1x256xf32, #tpu.memory_space<vmem>>, vector<1x256xf32>
    %add3A_32 = vector.broadcast %get3A_31 : vector<1x256xf32> to vector<8192x256xf32>
    %add3A_33 = arith.addf %dot_general3A_28, %add3A_32 : vector<8192x256xf32>
    %max3A_34 = arith.constant 0.000000e+00 : f32
    %max3A_35 = vector.broadcast %max3A_34 : f32 to vector<8192x256xf32>
    %max3A_36 = arith.maximumf %add3A_33, %max3A_35 : vector<8192x256xf32>
    %get3A_37 = arith.constant 0 : index
    %get3A_38 = arith.constant 0 : index
    %get3A_39 = vector.load %arg7[%get3A_37, %get3A_38] : memref<256x18xf32, #tpu.memory_space<vmem>>, vector<256x18xf32>
    %dot_general3A_40 = arith.constant dense<0.000000e+00> : vector<8192x18xf32>
    %dot_general3A_41 = tpu.matmul %max3A_36, %get3A_39, %dot_general3A_40 {dimension_numbers = #tpu.dot_dimension_numbers<[1], [0], [0], [1], [0, 0, 1, 1], [], []>, transpose_lhs_hint = false} : vector<8192x256xf32>, vector<256x18xf32>, vector<8192x18xf32> -> vector<8192x18xf32>
    %get3A_42 = arith.constant 0 : index
    %get3A_43 = arith.constant 0 : index
    %get3A_44 = vector.load %arg8[%get3A_42, %get3A_43] : memref<1x18xf32, #tpu.memory_space<vmem>>, vector<1x18xf32>
    %add3A_45 = vector.broadcast %get3A_44 : vector<1x18xf32> to vector<8192x18xf32>
    %add3A_46 = arith.addf %dot_general3A_41, %add3A_45 : vector<8192x18xf32>
    %swap3A_47 = arith.constant 0 : index
    %swap3A_48 = arith.constant 0 : index
    %swap3A_49 = vector.load %arg14[%swap3A_47, %swap3A_48] : memref<8192x18xf32, #tpu.memory_space<vmem>>, vector<8192x18xf32>
    tpu.vector_store %arg14[%swap3A_47, %swap3A_48], %add3A_46 {strides = array<i32>} : memref<8192x18xf32, #tpu.memory_space<vmem>>, vector<8192x18xf32>,
    %get3A_50 = arith.constant 0 : index
    %get3A_51 = arith.constant 0 : index
    %get3A_52 = vector.load %arg9[%get3A_50, %get3A_51] : memref<128x256xf32, #tpu.memory_space<vmem>>, vector<128x256xf32>
    %dot_general3A_53 = arith.constant dense<0.000000e+00> : vector<8192x256xf32>
    %dot_general3A_54 = tpu.matmul %get3A_1, %get3A_52, %dot_general3A_53 {dimension_numbers = #tpu.dot_dimension_numbers<[1], [0], [0], [1], [0, 0, 1, 1], [], []>, transpose_lhs_hint = false} : vector<8192x128xf32>, vector<128x256xf32>, vector<8192x256xf32> -> vector<8192x256xf32>
    %get3A_55 = arith.constant 0 : index
    %get3A_56 = arith.constant 0 : index
    %get3A_57 = vector.load %arg10[%get3A_55, %get3A_56] : memref<1x256xf32, #tpu.memory_space<vmem>>, vector<1x256xf32>
    %add3A_58 = vector.broadcast %get3A_57 : vector<1x256xf32> to vector<8192x256xf32>
    %add3A_59 = arith.addf %dot_general3A_54, %add3A_58 : vector<8192x256xf32>
    %max3A_60 = arith.constant 0.000000e+00 : f32
    %max3A_61 = vector.broadcast %max3A_60 : f32 to vector<8192x256xf32>
    %max3A_62 = arith.maximumf %add3A_59, %max3A_61 : vector<8192x256xf32>
    %get3A_63 = arith.constant 0 : index
    %get3A_64 = arith.constant 0 : index
    %get3A_65 = vector.load %arg11[%get3A_63, %get3A_64] : memref<256x9xf32, #tpu.memory_space<vmem>>, vector<256x9xf32>
    %dot_general3A_66 = arith.constant dense<0.000000e+00> : vector<8192x9xf32>
    %dot_general3A_67 = tpu.matmul %max3A_62, %get3A_65, %dot_general3A_66 {dimension_numbers = #tpu.dot_dimension_numbers<[1], [0], [0], [1], [0, 0, 1, 1], [], []>, transpose_lhs_hint = false} : vector<8192x256xf32>, vector<256x9xf32>, vector<8192x9xf32> -> vector<8192x9xf32>
    %get3A_68 = arith.constant 0 : index
    %get3A_69 = arith.constant 0 : index
    %get3A_70 = vector.load %arg12[%get3A_68, %get3A_69] : memref<1x9xf32, #tpu.memory_space<vmem>>, vector<1x9xf32>
    %add3A_71 = vector.broadcast %get3A_70 : vector<1x9xf32> to vector<8192x9xf32>
    %add3A_72 = arith.addf %dot_general3A_67, %add3A_71 : vector<8192x9xf32>
    %swap3A_73 = arith.constant 0 : index
    %swap3A_74 = arith.constant 0 : index
    %swap3A_75 = vector.load %arg15[%swap3A_73, %swap3A_74] : memref<8192x9xf32, #tpu.memory_space<vmem>>, vector<8192x9xf32>
    tpu.vector_store %arg15[%swap3A_73, %swap3A_74], %add3A_72 {strides = array<i32>} : memref<8192x9xf32, #tpu.memory_space<vmem>>, vector<8192x9xf32>,
    return
  }
}

</mosaic_0001>

<sc_bundles>
// kernel: kernel.12.cloned.1.call-start
scs
__scs_entry_jumppad:
0x0: {  	(pc) =	sbr.rel $0x88, $3  }
0x1: {  	(tag) =	ssettag $0x0;
	lr =	simm.s32 $0x1  }
0x2: {  	[smem:$0x3F81] =	sst lr;
	_ =	strace $0xD0000000  }
0x3: {  	_ = 	snop  }
0x4: {  	_ = 	snop  }
0x5: {  	_ = 	snop  }
0x6: {  	_ = 	snop  }
0x7: {  	_ = 	snop  }
__scs_overlays_trampoline_lowered:
0x8: {  	[smem:$0x3F90] =	sst s0  }
0x9: {  	[smem:$0x3F91] =	sst s1  }
0xa: {  	[smem:$0x3F92] =	sst s2  }
0xb: {  	[smem:$0x3F93] =	sst s3  }
0xc: {  	[smem:$0x3F94] =	sst s4  }
0xd: {  	[smem:$0x3F95] =	sst s5  }
0xe: {  	[smem:$0x3F96] =	sst s6  }
0xf: {  	[smem:$0x3F97] =	sst s7  }
0x10: {  	[smem:$0x3F98] =	sst s8  }
0x11: {  	[smem:$0x3F99] =	sst s9;
	s0 =	simm.s32 @!p0 $0x0  }
0x12: {  	s1 =	sld [smem:$0x3F7F];
	s0 =	simm.s32 @p0 $0x1  }
0x13: {  	[smem:$0x3F9A] =	sst s0;
	s0 =	simm.s32 @!p1 $0x0  }
0x14: {  	s2 =	sld [smem:$0x3F7E];
	s0 =	simm.s32 @p1 $0x1  }
0x15: {  	[smem:$0x3F9B] =	sst s0;
	s0 =	simm.s32 @!p2 $0x0  }
0x16: {  	s3 =	sld [smem:$0x3FDB];
	s0 =	simm.s32 @p2 $0x1  }
0x17: {  	s4 =	simm.s32 $0x1BF5;
	[smem:$0x3F9D] =	sst s0  }
0x18: {  	s0 =	sld [smem:$0x3F80];
	_ =	swait.ge [sflag:s4], $0x0  }
0x19: {  	s7 =	sld [smem:$0x3F81]  }
0x1a: {  	s8 =	sadd.s32 $0xFFFFE003, lr  }
0x1b: {  	s9 =	sadd.s32 $0xFFFFFEF7, lr;
	s5 =	simm.s32 $0xFFFFFFFF;
	p2 =	slt.u32 s8, $0xFFFFF086  }
0x1c: {  	p1 =	slt.u32 s9, $0xF7A;
	s5 =	simm.s32 @!p2 $0x0  }
0x1d: {  	s5 =	simm.s32 @p1 $0x1;
	p0 =	seq.s32 s7, s2  }
0x1e: {  	s7 =	smul.u32 @!p0 $0xF7A, s2;
	p2 =	seq.s32 @!p0 s5, $0x0  }
0x1f: {  	s9 =	smul.u32 $0xF7A, s1;
	s8 =	simm.s32 @!p0 $0x1BF5;
	p2 =	por !p2, p0  }
0x20: {  	[sflag:s8] =	ssyncset.s32 @!p0 $0xFFFFF086;
	s6 =	sadd.s32 @!p0 s3, s7;
	s7 =	simm.s32 @!p0 $0x108  }
0x21: {  	s3 =	sadd.s32 s3, s9;
	s6 =	sadd.s32 @!p0 $0x88, s6;
	s7 =	simm.s32 @p2 $0x1082  }
0x22: {  	[simem:s7], [sflag:s8] =	dma.local @!p0 [hbm:s6], $0xF7A  }
0x23: {  	s9 =	sor.u32 $0xD0000000, s2;
	s6 =	simm.s32 $0x108;
	_ =	swait.ge @!p0 [sflag:s8], $0x0  }
0x24: {  	s3 =	sadd.s32 $0x88, s3;
	s6 =	simm.s32 @!p1 $0x1082;
	[sflag:s4] =	ssyncset.s32 $0xFFFFF086  }
0x25: {  	[simem:s6], [sflag:s4] =	dma.local [hbm:s3], $0xF7A  }
0x26: {  	[smem:$0x3F81] =	sst s1;
	(tag) =	ssettag s2;
	_ =	strace s9  }
0x27: {  	s1 =	sld [smem:$0x3F91]  }
0x28: {  	s2 =	sld [smem:$0x3F92]  }
0x29: {  	s4 =	sld [smem:$0x3F94]  }
0x2a: {  	p0 =	seq.s32 s5, $0x0;
	s5 =	sld [smem:$0x3F95]  }
0x2b: {  	s6 =	sld [smem:$0x3F96]  }
0x2c: {  	s7 =	sld [smem:$0x3F97]  }
0x2d: {  	s3 =	simm.s32 $0x108;
	s8 =	sld [smem:$0x3F98]  }
0x2e: {  	s3 =	simm.s32 @!p0 $0x1082;
	s9 =	sld [smem:$0x3F99]  }
0x2f: {  	lr =	sadd.s32 s0, s3;
	s0 =	sld [smem:$0x3F90]  }
0x30: {  	s3 =	sld [smem:$0x3F93]  }
0x31: {  	[smem:$0x3F9C] =	sst s10  }
0x32: {  	s10 =	sld [smem:$0x3F9A];
	_ =	sdelay $0x3  }
0x33: {  	p0 =	seq.s32 s10, $0x1;
	s10 =	sld [smem:$0x3F9C];
	_ =	sdelay $0x3  }
0x34: {  	[smem:$0x3F9C] =	sst s10  }
0x35: {  	s10 =	sld [smem:$0x3F9B];
	_ =	sdelay $0x3  }
0x36: {  	p1 =	seq.s32 s10, $0x1;
	s10 =	sld [smem:$0x3F9C];
	_ =	sdelay $0x3  }
0x37: {  	[smem:$0x3F9C] =	sst s10  }
0x38: {  	s10 =	sld [smem:$0x3F9D]  }
0x39: {  	_ = 	snop;
	(pc) =	sbr.ind lr, $3  }
0x3a: {  	_ = 	snop  }
0x3b: {  	_ = 	snop  }
0x3c: {  	p2 =	seq.s32 s10, $0x1;
	s10 =	sld [smem:$0x3F9C]  }
0x3d: {  	_ =	shalt  }
0x3e: {  	_ =	shalt  }
0x3f: {  	_ =	shalt  }
0x40: {  	_ =	shalt  }
0x41: {  	_ =	shalt  }
0x42: {  	_ =	shalt  }
0x43: {  	_ =	shalt  }
0x44: {  	_ =	shalt  }
0x45: {  	_ =	shalt  }
0x46: {  	_ =	shalt  }
0x47: {  	_ =	shalt  }
0x48: {  	_ =	shalt  }
0x49: {  	_ =	shalt  }
0x4a: {  	_ =	shalt  }
0x4b: {  	_ =	shalt  }
0x4c: {  	_ =	shalt  }
0x4d: {  	_ =	shalt  }
0x4e: {  	_ =	shalt  }
0x4f: {  	_ =	shalt  }
0x50: {  	_ =	shalt  }
0x51: {  	_ =	shalt  }
0x52: {  	_ =	shalt  }
0x53: {  	_ =	shalt  }
0x54: {  	_ =	shalt  }
0x55: {  	_ =	shalt  }
0x56: {  	_ =	shalt  }
0x57: {  	_ =	shalt  }
0x58: {  	_ =	shalt  }
0x59: {  	_ =	shalt  }
0x5a: {  	_ =	shalt  }
0x5b: {  	_ =	shalt  }
0x5c: {  	_ =	shalt  }
0x5d: {  	_ =	shalt  }
0x5e: {  	_ =	shalt  }
0x5f: {  	_ =	shalt  }
0x60: {  	_ =	shalt  }
0x61: {  	_ =	shalt  }
0x62: {  	_ =	shalt  }
0x63: {  	_ =	shalt  }
0x64: {  	_ =	shalt  }
0x65: {  	_ =	shalt  }
0x66: {  	_ =	shalt  }
0x67: {  	_ =	shalt  }
0x68: {  	_ =	shalt  }
0x69: {  	_ =	shalt  }
0x6a: {  	_ =	shalt  }
0x6b: {  	_ =	shalt  }
0x6c: {  	_ =	shalt  }
0x6d: {  	_ =	shalt  }
0x6e: {  	_ =	shalt  }
0x6f: {  	_ =	shalt  }
0x70: {  	_ =	shalt  }
0x71: {  	_ =	shalt  }
0x72: {  	_ =	shalt  }
0x73: {  	_ =	shalt  }
0x74: {  	_ =	shalt  }
0x75: {  	_ =	shalt  }
0x76: {  	_ =	shalt  }
0x77: {  	_ =	shalt  }
0x78: {  	_ =	shalt  }
0x79: {  	_ =	shalt  }
0x7a: {  	_ =	shalt  }
0x7b: {  	_ =	shalt  }
0x7c: {  	_ =	shalt  }
0x7d: {  	_ =	shalt  }
0x7e: {  	_ =	shalt  }
0x7f: {  	_ =	shalt  }
0x80: {  	_ =	shalt  }
0x81: {  	_ =	shalt  }
0x82: {  	_ =	shalt  }
0x83: {  	_ =	shalt  }
0x84: {  	_ =	shalt  }
0x85: {  	_ =	shalt  }
0x86: {  	_ =	shalt  }
0x87: {  	_ =	shalt  }
.Lfunc_end0:
.L_simem_size_0:
called_computation.1_lowered:
.L_overlay_start_0:
0x88: {  	s2 =	sld [smem:$0x3FD9]  }
0x89: {  	s3 =	sld [smem:$0x3FFE];
	_ =	sdelay $0x1  }
0x8a: {  	s1 =	srdreg.scid  }
0x8b: {  	s0 =	sand.u32 $0x1, s1  }
0x8c: {  	s14 =	sshll.u32 s0, $0xA;
	s2 =	sadd.s32 s3, s2  }
0x8d: {  	s2 =	sadd.s32 s2, s14  }
0x8e: {  	[smem:$0x3FA8] =	sst s2  }
0x8f: {  	_ = 	snop  }
0x90: {  	s2 =	sld [smem:$0x3FD0];
	_ =	sdelay $0x2  }
0x91: {  	s15 =	simm.s32 $0xA;
	s4 =	simm.s32 $0x10  }
0x92: {  	[smem:s4], [sflag:s15] =	dma.local [hbm:s2], $0x1  }
0x93: {  	_ =	swait.eq [sflag:s15], $0x1  }
0x94: {  	[sflag:s15] =	ssyncset.done $0x0  }
0x95: {  	[sflag:s15] =	ssyncadd.s32 $0xFFFFFFFF  }
0x96: {  	s16 =	sld [smem:$0x12];
	(tm) =	ssettm $0x1  }
0x97: {  	s17 =	sld [smem:$0x3FFB];
	_ =	sdelay $0x3  }
0x98: {  	_ =	strace s17  }
0x99: {  	s3 =	sld [smem:$0x3FFC];
	_ =	sdelay $0x3  }
0x9a: {  	_ =	strace s3  }
0x9b: {  	s3 =	sld [smem:$0x3FFD];
	_ =	sdelay $0x3  }
0x9c: {  	_ =	strace s3  }
0x9d: {  	_ =	strace $0x8FFFFFFF  }
0x9e: {  	s18 =	sld [smem:$0x3FDB];
	_ =	sdelay $0x1  }
0x9f: {  	s19 =	simm.s32 $_scs_section_size  }
0xa0: {  	s5 =	simm.s32 $_size__tile_overlayer_lowered;
	s6 =	simm.s32 $_tile_overlayer_lowered  }
0xa1: {  	s22 =	simm.s32 $0x1BFF;
	s21 =	sshll.u32 s6, $0x1;
	s3 =	sadd.s32 s19, s18  }
0xa2: {  	s7 =	simm.s32 $0x0;
	s20 =	sshll.u32 s5, $0x1;
	s5 =	sadd.s32 s21, s3  }
0xa3: {  	[timem:s7], [sflag:s22] =	dma.local [hbm:s5], s20  }
0xa4: {  	_ =	swait.ge [sflag:s22], s20  }
0xa5: {  	s4 =	ssub.s32 $0x0, s20;
	[sflag:s22] =	ssyncset.done $0x0  }
0xa6: {  	[sflag:s22] =	ssyncadd.s32 s4;
	_ =	sdelay $0x1  }
0xa7: {  	s23 =	simm.s32 $0x1B8B  }
0xa8: {  	_ =	swait.ge [sflag:s23], $0x1  }
0xa9: {  	[sflag:s23] =	ssyncset.done $0x0  }
0xaa: {  	s25 =	simm.s32 $0x1B8E;
	s24 =	sld [smem:$0x3FFE];
	[sflag:s23] =	ssyncadd.s32 $0xFFFFFFFF  }
0xab: {  	s26 =	simm.s32 $execute0_lowered;
	[smem:$0x3FD2] =	sst s25  }
0xac: {  	s5 =	sshll.u32 s26, $0x1;
	_ =	strace $0x80000049;
	[dreg:$0x1] =	wrdreg $0xFFFFFFFF  }
0xad: {  	s28 =	simm.s32 $_size_execute0_lowered;
	s3 =	sadd.s32 s3, s5;
	[dreg:$0x0] =	wrdreg $0x0  }
0xae: {  	s5 =	sshll.u32 s28, $0x1;
	[dreg:$0x2] =	wrdreg s3  }
0xaf: {  	[dreg:$0x3] =	wrdreg s5  }
0xb0: {  	[dreg:$0x4] =	wrdreg $0xC0  }
0xb1: {  	_ =	task [dreg:s7], $0x5FFFF  }
0xb2: {  	[dreg:$0x1] =	wrdreg $0xFFFFFFFF  }
0xb3: {  	[dreg:$0x0] =	wrdreg $0x60  }
0xb4: {  	[dreg:$0x2] =	wrdreg s24  }
0xb5: {  	[dreg:$0x3] =	wrdreg s16  }
0xb6: {  	[dreg:$0x4] =	wrdreg $0xA8000  }
0xb7: {  	[dreg:$0x5] =	wrdreg $0x9  }
0xb8: {  	_ =	task.clear_ibuf [dreg:s7], $0x6FFFF;
	_ =	strace $0x90000049  }
0xb9: {  	s29 =	simm.s32 $0x9;
	_ =	strace $0x8000004B  }
0xba: {  	_ =	swait.ge [sflag:s29], $0x1  }
0xbb: {  	[sflag:s29] =	ssyncadd.s32 $0xFFFFFFFF  }
0xbc: {  	_ =	strace $0x9000004B  }
0xbd: {  	_ =	sfence  }
0xbe: {  	s30 =	sld [smem:$0x0];
	_ =	sdelay $0x2  }
0xbf: {  	s31 =	sshll.u32 s1, $0xD;
	s1 =	sshrl.u32 s1, $0x2  }
0xc0: {  	s3 =	sand.u32 $0x4000, s31;
	s1 =	sadd.s32 s1, s30  }
0xc1: {  	s0 =	sor.u32 s3, s0;
	s1 =	sshll.u32 s1, $0x11  }
0xc2: {  	s0 =	sor.u32 s1, s0  }
0xc3: {  	s0 =	sadd.s32 $0x8F2B, s0  }
0xc4: {  	[sflag:s0] =	ssyncadd.remote.s32 $0x1  }
0xc5: {  	_ =	sfence.sel $0xFFFF  }
0xc6: {  	[dreg:$0x0] =	wrdreg $0xFFFFFFFF;
	(pc) =	sbr.abs _section_cstart, $3  }
0xc7: {  	[dreg:$0x1] =	wrdreg $0xFFFFFFFF  }
0xc8: {  	_ =	task.clear_ibuf [dreg:s7], $0x2FFFF;
	_ =	strace $0x9FFFFFFF  }
0xc9: {  	(tm) =	ssettm $0x7FFFFFFF  }
tec
execute0_lowered:
.L_overlay_start_1:
0x0: {  	(tag) =	ssettag $0x1  }
0x1: {  	s6 =	rddreg [dreg:$0x0]  }
0x2: {  	s1 =	rddreg [dreg:$0x1]  }
0x3: {  	s2 =	rddreg [dreg:$0x2]  }
0x4: {  	s0 =	rddreg [dreg:$0x3];
	s4 =	simm.s32 $0x0;
	s3 =	srdreg.scid  }
0x5: {  	s14 =	simm.s32 $0x50;
	s15 =	simm.s32 $0x8000;
	s16 =	simm.s32 $0x1  }
0x6: {  	s17 =	simm.s32 $0x0;
	[smem:$0x7FF] =	sst s4;
	s7 =	sand.u32 $0x1, s3  }
0x7: {  	s3 =	stileid.u32;
	s5 =	sadd.s32 $0x26400, s6;
	s8 =	smul.u32 $0x13C000, s7  }
0x8: {  	_ =	strace $0x8000004A;
	s9 =	smul.u32 $0x13C00, s3;
	s10 =	sshll.u32 s7, $0xF  }
0x9: {  	s11 =	sshll.u32 s3, $0xB;
	s26 =	smul.u32 $0x4E200, s3;
	s7 =	ssub.s32 $0x2, s7  }
0xa: {  	s31 =	sshll.u32 s3, $0x6;
	s10 =	sor.u32 s11, s10;
	s29 =	sshrl.u32 s7, $0x1  }
0xb: {  	s8 =	sadd.s32 s9, s8;
	s10 =	sadd.s32 s10, s6;
	s30 =	sshrl.u32 s26, $0x2  }
0xc: {  	s12 =	ssub.s32 s7, s29;
	s8 =	sshrl.u32 s8, $0x3;
	s13 =	sadd.s32 s30, s2  }
0xd: {  	s7 =	sadd.s32 $0x6400, s10;
	s28 =	sadd.s32 s8, s6;
	s6 =	sor.u32 $0x1C02, s31  }
0xe: {  	s8 =	sadd.s32 $0x16400, s10;
	s10 =	smax.u32 s12, $0x1;
	s11 =	sshrl.u32 s13, $0x3  }
0xf: {  	s12 =	simm.s32 $0x2;
	s13 =	simm.s32 $0x4000;
	s9 =	sadd.s32 $0xC3600, s28  }
.LBB2_1:
0x10: {  	[spmem:s11], [sflag:s6] =	dma.local [hbm:s1], $0x2710  }
0x11: {  	_ =	swait.ge [sflag:s12], $0x2710  }
0x12: {  	[sflag:s12] =	ssyncset.done $0x0  }
0x13: {  	[sflag:s12] =	ssyncadd.s32 $0xFFFFD8F0  }
0x14: {  	[bflag:$0x0] =	sbarrier.arrive $0xFFFF  }
0x15: {  	[tilespmem:s4], [sflag:$0x2] =	stream.linear.gather [hbm4b:s7+s4], $0x3E80, $0x38;
	[tilespmem:$0x1E080] =	vst v63  }
0x16: {  	_ =	swait.ge [sflag:s12], $0x3E80  }
0x17: {  	[sflag:s12] =	ssyncset.done $0x0  }
0x18: {  	[sflag:s12] =	ssyncadd.s32 $0xFFFFC180  }
0x19: {  	[tilespmem:s13], [sflag:$0x2] =	stream.linear.gather [hbm4b:s8+s4], $0x3E80, $0x38;
	[tilespmem:$0x1E080] =	vst v63  }
0x1a: {  	_ =	swait.ge [sflag:s12], $0x3E80  }
0x1b: {  	[sflag:s12] =	ssyncset.done $0x0  }
0x1c: {  	s18 =	simm.s32 $0x0;
	[sflag:s12] =	ssyncadd.s32 $0xFFFFC180  }
0x1d: {  	[tilespmem:s15], [sflag:$0x1] =	stream.indirect.gather [hbm4b:s5+s14], $0x80, s18, s14, $0xb8;
	[tilespmem:$0x1E080] =	vst v63  }
0x1e: {  	_ =	swait.ge [sflag:s16], $0x2800  }
0x1f: {  	[sflag:s16] =	ssyncset.done $0x0  }
0x20: {  	s31 =	simm.s32 $0x4000;
	[sflag:s16] =	ssyncadd.s32 $0xFFFFD800  }
0x21: {  	[spmem:s2] =	stream.indirect.scatter.add.f32 [tilespmem:s15], [sflag:$0x2], $0x80, s31, s14, $0xb8;
	[tilespmem:$0x1E080] =	vst v63  }
0x22: {  	_ =	swait.ge [sflag:s12], $0x2800  }
0x23: {  	s19 =	simm.s32 $0x400;
	s18 =	simm.s32 $0x200;
	[sflag:s12] =	ssyncset.done $0x0  }
.LBB2_2:
0x24: {  	s20 =	sshra.s32 s18, $0x2  }
0x25: {  	[sflag:s12] =	ssyncadd.s32 $0xFFFFD800;
	s18 =	smov.u32 s19;
	s21 =	sadd.s32 $0x200, s19  }
0x26: {  	[tilespmem:s15], [sflag:$0x1] =	stream.indirect.gather [hbm4b:s5+s14], $0x80, s20, s14, $0xb8;
	[tilespmem:$0x1E080] =	vst v63  }
0x27: {  	p0 =	sne.s32 s19, $0xF800;
	_ =	swait.ge [sflag:s16], $0x2800  }
.Ltmp0:
0x28: {  	[sflag:s16] =	ssyncset.done $0x0;
	(pc) =	sbr.rel @p0 .LBB2_2-.Ltmp0, $4  }
0x29: {  	s19 =	sadd.s32 $0x4000, s20;
	[sflag:s16] =	ssyncadd.s32 $0xFFFFD800  }
0x2a: {  	[spmem:s2] =	stream.indirect.scatter.add.f32 [tilespmem:s15], [sflag:$0x2], $0x80, s19, s14, $0xb8;
	[tilespmem:$0x1E080] =	vst v63  }
0x2b: {  	_ =	swait.ge [sflag:s12], $0x2800  }
0x2c: {  	s19 =	smov.u32 s21;
	[sflag:s12] =	ssyncset.done $0x0  }
0x2d: {  	s18 =	sshra.s32 s18, $0x2;
	[sflag:s12] =	ssyncadd.s32 $0xFFFFD800  }
0x2e: {  	[tilespmem:s15], [sflag:$0x1] =	stream.indirect.gather [hbm4b:s5+s14], $0x80, s18, s14, $0xb8;
	[tilespmem:$0x1E080] =	vst v63  }
0x2f: {  	_ =	swait.ge [sflag:s16], $0x2800  }
0x30: {  	[sflag:s16] =	ssyncset.done $0x0  }
0x31: {  	s18 =	sadd.s32 $0x4000, s18;
	[sflag:s16] =	ssyncadd.s32 $0xFFFFD800  }
0x32: {  	[spmem:s2] =	stream.indirect.scatter.add.f32 [tilespmem:s15], [sflag:$0x2], $0x80, s18, s14, $0xb8;
	[tilespmem:$0x1E080] =	vst v63  }
0x33: {  	_ =	swait.ge [sflag:s12], $0x2800  }
0x34: {  	s17 =	sadd.s32 $0x1, s17;
	[sflag:s12] =	ssyncset.done $0x0  }
0x35: {  	p0 =	sne.s32 s17, s10;
	[sflag:s12] =	ssyncadd.s32 $0xFFFFD800  }
.Ltmp1:
0x36: {  	[bflag:$0x0] =	sbarrier.arrive $0xFFFF;
	(pc) =	sbr.rel @p0 .LBB2_1-.Ltmp1, $4  }
0x37: {  	[hbm:s9], [sflag:s6] =	dma.local [spmem:s11], $0x2710  }
0x38: {  	_ =	swait.ge [sflag:s12], $0x2710  }
0x39: {  	[sflag:s12] =	ssyncset.done $0x0  }
0x3a: {  	[sflag:s12] =	ssyncadd.s32 $0xFFFFD8F0  }
0x3b: {  	_ =	sfence.sel $0x180000  }
0x3c: {  	[bflag:$0x0] =	sbarrier.arrive $0xFFFF  }
0x3d: {  	p0 =	sne.s32 s3, $0x0;
	_ =	strace $0x9000004A  }
0x3e: {  	s0 =	sadd.s32 @!p0 $0x100000, s0;
	[bflag:$0x2] =	sbarrier.arrive $0xFFFF  }
0x3f: {  	[sflag:s0] =	ssyncadd.tile.s32 @!p0 $0x1;
	_ =	shalt  }
.Lfunc_end2:
_tile_overlayer_lowered:
.L_overlay_start_2:
0x40: {  	(tag) =	ssettag $0x2  }
0x41: {  	s0 =	rddreg [dreg:$0x0];
	s2 =	stileid.u32  }
0x42: {  	s1 =	rddreg [dreg:$0x1];
	p0 =	sne.s32 s2, $0x0  }
0x43: {  	s3 =	rddreg [dreg:$0x2];
	[bflag:$0x3] =	sbarrier.arrive $0xFFFF;
	s2 =	simm.s32 @!p0 $0x1C02  }
0x44: {  	[timem:s3], [sflag:s2] =	dma.local @!p0 [hbm:s0], s1  }
0x45: {  	s0 =	simm.s32 @!p0 $0x2  }
0x46: {  	_ =	swait.ge @!p0 [sflag:s0], s1  }
0x47: {  	s1 =	ssub.s32 @!p0 $0x0, s1;
	[sflag:s0] =	ssyncset.done @!p0 $0x0  }
0x48: {  	[sflag:s0] =	ssyncadd.s32 @!p0 s1  }
0x49: {  	[bflag:$0x3] =	sbarrier.arrive $0xFFFF  }
0x4a: {  	_ =	shalt  }

// kernel: kernel.15.cloned.1.call-start
scs
__scs_entry_jumppad:
0x0: {  	(pc) =	sbr.rel $0x88, $3  }
0x1: {  	(tag) =	ssettag $0x0;
	lr =	simm.s32 $0x1  }
0x2: {  	[smem:$0x3F81] =	sst lr;
	_ =	strace $0xD0000000  }
0x3: {  	_ = 	snop  }
0x4: {  	_ = 	snop  }
0x5: {  	_ = 	snop  }
0x6: {  	_ = 	snop  }
0x7: {  	_ = 	snop  }
__scs_overlays_trampoline_lowered:
0x8: {  	[smem:$0x3F90] =	sst s0  }
0x9: {  	[smem:$0x3F91] =	sst s1  }
0xa: {  	[smem:$0x3F92] =	sst s2  }
0xb: {  	[smem:$0x3F93] =	sst s3  }
0xc: {  	[smem:$0x3F94] =	sst s4  }
0xd: {  	[smem:$0x3F95] =	sst s5  }
0xe: {  	[smem:$0x3F96] =	sst s6  }
0xf: {  	[smem:$0x3F97] =	sst s7  }
0x10: {  	[smem:$0x3F98] =	sst s8  }
0x11: {  	[smem:$0x3F99] =	sst s9;
	s0 =	simm.s32 @!p0 $0x0  }
0x12: {  	s1 =	sld [smem:$0x3F7F];
	s0 =	simm.s32 @p0 $0x1  }
0x13: {  	[smem:$0x3F9A] =	sst s0;
	s0 =	simm.s32 @!p1 $0x0  }
0x14: {  	s2 =	sld [smem:$0x3F7E];
	s0 =	simm.s32 @p1 $0x1  }
0x15: {  	[smem:$0x3F9B] =	sst s0;
	s0 =	simm.s32 @!p2 $0x0  }
0x16: {  	s3 =	sld [smem:$0x3FDB];
	s0 =	simm.s32 @p2 $0x1  }
0x17: {  	s4 =	simm.s32 $0x1BF5;
	[smem:$0x3F9D] =	sst s0  }
0x18: {  	s0 =	sld [smem:$0x3F80];
	_ =	swait.ge [sflag:s4], $0x0  }
0x19: {  	s7 =	sld [smem:$0x3F81]  }
0x1a: {  	s8 =	sadd.s32 $0xFFFFE003, lr  }
0x1b: {  	s9 =	sadd.s32 $0xFFFFFEF7, lr;
	s5 =	simm.s32 $0xFFFFFFFF;
	p2 =	slt.u32 s8, $0xFFFFF086  }
0x1c: {  	p1 =	slt.u32 s9, $0xF7A;
	s5 =	simm.s32 @!p2 $0x0  }
0x1d: {  	s5 =	simm.s32 @p1 $0x1;
	p0 =	seq.s32 s7, s2  }
0x1e: {  	s7 =	smul.u32 @!p0 $0xF7A, s2;
	p2 =	seq.s32 @!p0 s5, $0x0  }
0x1f: {  	s9 =	smul.u32 $0xF7A, s1;
	s8 =	simm.s32 @!p0 $0x1BF5;
	p2 =	por !p2, p0  }
0x20: {  	[sflag:s8] =	ssyncset.s32 @!p0 $0xFFFFF086;
	s6 =	sadd.s32 @!p0 s3, s7;
	s7 =	simm.s32 @!p0 $0x108  }
0x21: {  	s3 =	sadd.s32 s3, s9;
	s6 =	sadd.s32 @!p0 $0x88, s6;
	s7 =	simm.s32 @p2 $0x1082  }
0x22: {  	[simem:s7], [sflag:s8] =	dma.local @!p0 [hbm:s6], $0xF7A  }
0x23: {  	s9 =	sor.u32 $0xD0000000, s2;
	s6 =	simm.s32 $0x108;
	_ =	swait.ge @!p0 [sflag:s8], $0x0  }
0x24: {  	s3 =	sadd.s32 $0x88, s3;
	s6 =	simm.s32 @!p1 $0x1082;
	[sflag:s4] =	ssyncset.s32 $0xFFFFF086  }
0x25: {  	[simem:s6], [sflag:s4] =	dma.local [hbm:s3], $0xF7A  }
0x26: {  	[smem:$0x3F81] =	sst s1;
	(tag) =	ssettag s2;
	_ =	strace s9  }
0x27: {  	s1 =	sld [smem:$0x3F91]  }
0x28: {  	s2 =	sld [smem:$0x3F92]  }
0x29: {  	s4 =	sld [smem:$0x3F94]  }
0x2a: {  	p0 =	seq.s32 s5, $0x0;
	s5 =	sld [smem:$0x3F95]  }
0x2b: {  	s6 =	sld [smem:$0x3F96]  }
0x2c: {  	s7 =	sld [smem:$0x3F97]  }
0x2d: {  	s3 =	simm.s32 $0x108;
	s8 =	sld [smem:$0x3F98]  }
0x2e: {  	s3 =	simm.s32 @!p0 $0x1082;
	s9 =	sld [smem:$0x3F99]  }
0x2f: {  	lr =	sadd.s32 s0, s3;
	s0 =	sld [smem:$0x3F90]  }
0x30: {  	s3 =	sld [smem:$0x3F93]  }
0x31: {  	[smem:$0x3F9C] =	sst s10  }
0x32: {  	s10 =	sld [smem:$0x3F9A];
	_ =	sdelay $0x3  }
0x33: {  	p0 =	seq.s32 s10, $0x1;
	s10 =	sld [smem:$0x3F9C];
	_ =	sdelay $0x3  }
0x34: {  	[smem:$0x3F9C] =	sst s10  }
0x35: {  	s10 =	sld [smem:$0x3F9B];
	_ =	sdelay $0x3  }
0x36: {  	p1 =	seq.s32 s10, $0x1;
	s10 =	sld [smem:$0x3F9C];
	_ =	sdelay $0x3  }
0x37: {  	[smem:$0x3F9C] =	sst s10  }
0x38: {  	s10 =	sld [smem:$0x3F9D]  }
0x39: {  	_ = 	snop;
	(pc) =	sbr.ind lr, $3  }
0x3a: {  	_ = 	snop  }
0x3b: {  	_ = 	snop  }
0x3c: {  	p2 =	seq.s32 s10, $0x1;
	s10 =	sld [smem:$0x3F9C]  }
0x3d: {  	_ =	shalt  }
0x3e: {  	_ =	shalt  }
0x3f: {  	_ =	shalt  }
0x40: {  	_ =	shalt  }
0x41: {  	_ =	shalt  }
0x42: {  	_ =	shalt  }
0x43: {  	_ =	shalt  }
0x44: {  	_ =	shalt  }
0x45: {  	_ =	shalt  }
0x46: {  	_ =	shalt  }
0x47: {  	_ =	shalt  }
0x48: {  	_ =	shalt  }
0x49: {  	_ =	shalt  }
0x4a: {  	_ =	shalt  }
0x4b: {  	_ =	shalt  }
0x4c: {  	_ =	shalt  }
0x4d: {  	_ =	shalt  }
0x4e: {  	_ =	shalt  }
0x4f: {  	_ =	shalt  }
0x50: {  	_ =	shalt  }
0x51: {  	_ =	shalt  }
0x52: {  	_ =	shalt  }
0x53: {  	_ =	shalt  }
0x54: {  	_ =	shalt  }
0x55: {  	_ =	shalt  }
0x56: {  	_ =	shalt  }
0x57: {  	_ =	shalt  }
0x58: {  	_ =	shalt  }
0x59: {  	_ =	shalt  }
0x5a: {  	_ =	shalt  }
0x5b: {  	_ =	shalt  }
0x5c: {  	_ =	shalt  }
0x5d: {  	_ =	shalt  }
0x5e: {  	_ =	shalt  }
0x5f: {  	_ =	shalt  }
0x60: {  	_ =	shalt  }
0x61: {  	_ =	shalt  }
0x62: {  	_ =	shalt  }
0x63: {  	_ =	shalt  }
0x64: {  	_ =	shalt  }
0x65: {  	_ =	shalt  }
0x66: {  	_ =	shalt  }
0x67: {  	_ =	shalt  }
0x68: {  	_ =	shalt  }
0x69: {  	_ =	shalt  }
0x6a: {  	_ =	shalt  }
0x6b: {  	_ =	shalt  }
0x6c: {  	_ =	shalt  }
0x6d: {  	_ =	shalt  }
0x6e: {  	_ =	shalt  }
0x6f: {  	_ =	shalt  }
0x70: {  	_ =	shalt  }
0x71: {  	_ =	shalt  }
0x72: {  	_ =	shalt  }
0x73: {  	_ =	shalt  }
0x74: {  	_ =	shalt  }
0x75: {  	_ =	shalt  }
0x76: {  	_ =	shalt  }
0x77: {  	_ =	shalt  }
0x78: {  	_ =	shalt  }
0x79: {  	_ =	shalt  }
0x7a: {  	_ =	shalt  }
0x7b: {  	_ =	shalt  }
0x7c: {  	_ =	shalt  }
0x7d: {  	_ =	shalt  }
0x7e: {  	_ =	shalt  }
0x7f: {  	_ =	shalt  }
0x80: {  	_ =	shalt  }
0x81: {  	_ =	shalt  }
0x82: {  	_ =	shalt  }
0x83: {  	_ =	shalt  }
0x84: {  	_ =	shalt  }
0x85: {  	_ =	shalt  }
0x86: {  	_ =	shalt  }
0x87: {  	_ =	shalt  }
.Lfunc_end0:
.L_simem_size_0:
called_computation.2_lowered:
.L_overlay_start_0:
0x88: {  	s2 =	sld [smem:$0x3FD9]  }
0x89: {  	s3 =	sld [smem:$0x3FFE];
	_ =	sdelay $0x1  }
0x8a: {  	s1 =	srdreg.scid  }
0x8b: {  	s0 =	sand.u32 $0x1, s1  }
0x8c: {  	s14 =	sshll.u32 s0, $0xA;
	s2 =	sadd.s32 s3, s2  }
0x8d: {  	s2 =	sadd.s32 s2, s14  }
0x8e: {  	[smem:$0x3FA8] =	sst s2  }
0x8f: {  	_ = 	snop  }
0x90: {  	s2 =	sld [smem:$0x3FD0];
	_ =	sdelay $0x2  }
0x91: {  	s15 =	simm.s32 $0xA;
	s4 =	simm.s32 $0x10  }
0x92: {  	[smem:s4], [sflag:s15] =	dma.local [hbm:s2], $0x1  }
0x93: {  	_ =	swait.eq [sflag:s15], $0x1  }
0x94: {  	[sflag:s15] =	ssyncset.done $0x0  }
0x95: {  	[sflag:s15] =	ssyncadd.s32 $0xFFFFFFFF  }
0x96: {  	s16 =	sld [smem:$0x12];
	(tm) =	ssettm $0x1  }
0x97: {  	s17 =	sld [smem:$0x3FFB];
	_ =	sdelay $0x3  }
0x98: {  	_ =	strace s17  }
0x99: {  	s3 =	sld [smem:$0x3FFC];
	_ =	sdelay $0x3  }
0x9a: {  	_ =	strace s3  }
0x9b: {  	s3 =	sld [smem:$0x3FFD];
	_ =	sdelay $0x3  }
0x9c: {  	_ =	strace s3  }
0x9d: {  	_ =	strace $0x8FFFFFFF  }
0x9e: {  	s18 =	sld [smem:$0x3FDB];
	_ =	sdelay $0x1  }
0x9f: {  	s19 =	simm.s32 $_scs_section_size  }
0xa0: {  	s5 =	simm.s32 $_size__tile_overlayer_lowered;
	s6 =	simm.s32 $_tile_overlayer_lowered  }
0xa1: {  	s22 =	simm.s32 $0x1BFF;
	s21 =	sshll.u32 s6, $0x1;
	s3 =	sadd.s32 s19, s18  }
0xa2: {  	s7 =	simm.s32 $0x0;
	s20 =	sshll.u32 s5, $0x1;
	s5 =	sadd.s32 s21, s3  }
0xa3: {  	[timem:s7], [sflag:s22] =	dma.local [hbm:s5], s20  }
0xa4: {  	_ =	swait.ge [sflag:s22], s20  }
0xa5: {  	s4 =	ssub.s32 $0x0, s20;
	[sflag:s22] =	ssyncset.done $0x0  }
0xa6: {  	[sflag:s22] =	ssyncadd.s32 s4;
	_ =	sdelay $0x1  }
0xa7: {  	s23 =	simm.s32 $0x1B8B  }
0xa8: {  	_ =	swait.ge [sflag:s23], $0x1  }
0xa9: {  	[sflag:s23] =	ssyncset.done $0x0  }
0xaa: {  	s25 =	simm.s32 $0x1B8E;
	s24 =	sld [smem:$0x3FFE];
	[sflag:s23] =	ssyncadd.s32 $0xFFFFFFFF  }
0xab: {  	s26 =	simm.s32 $execute0_lowered;
	[smem:$0x3FD2] =	sst s25  }
0xac: {  	s5 =	sshll.u32 s26, $0x1;
	_ =	strace $0x8000004C;
	[dreg:$0x1] =	wrdreg $0xFFFFFFFF  }
0xad: {  	s28 =	simm.s32 $_size_execute0_lowered;
	s3 =	sadd.s32 s3, s5;
	[dreg:$0x0] =	wrdreg $0x0  }
0xae: {  	s5 =	sshll.u32 s28, $0x1;
	[dreg:$0x2] =	wrdreg s3  }
0xaf: {  	[dreg:$0x3] =	wrdreg s5  }
0xb0: {  	[dreg:$0x4] =	wrdreg $0xC0  }
0xb1: {  	_ =	task [dreg:s7], $0x5FFFF  }
0xb2: {  	[dreg:$0x1] =	wrdreg $0xFFFFFFFF  }
0xb3: {  	[dreg:$0x0] =	wrdreg $0x60  }
0xb4: {  	[dreg:$0x2] =	wrdreg s24  }
0xb5: {  	[dreg:$0x3] =	wrdreg s16  }
0xb6: {  	[dreg:$0x4] =	wrdreg $0xA8000  }
0xb7: {  	[dreg:$0x5] =	wrdreg $0x9  }
0xb8: {  	_ =	task.clear_ibuf [dreg:s7], $0x6FFFF;
	_ =	strace $0x9000004C  }
0xb9: {  	s29 =	simm.s32 $0x9;
	_ =	strace $0x8000004E  }
0xba: {  	_ =	swait.ge [sflag:s29], $0x1  }
0xbb: {  	[sflag:s29] =	ssyncadd.s32 $0xFFFFFFFF  }
0xbc: {  	_ =	strace $0x9000004E  }
0xbd: {  	_ =	sfence  }
0xbe: {  	s30 =	sld [smem:$0x0];
	_ =	sdelay $0x2  }
0xbf: {  	s31 =	sshll.u32 s1, $0xD;
	s1 =	sshrl.u32 s1, $0x2  }
0xc0: {  	s3 =	sand.u32 $0x4000, s31;
	s1 =	sadd.s32 s1, s30  }
0xc1: {  	s0 =	sor.u32 s3, s0;
	s1 =	sshll.u32 s1, $0x11  }
0xc2: {  	s0 =	sor.u32 s1, s0  }
0xc3: {  	s0 =	sadd.s32 $0x8F2B, s0  }
0xc4: {  	[sflag:s0] =	ssyncadd.remote.s32 $0x1  }
0xc5: {  	_ =	sfence.sel $0xFFFF  }
0xc6: {  	[dreg:$0x0] =	wrdreg $0xFFFFFFFF;
	(pc) =	sbr.abs _section_cstart, $3  }
0xc7: {  	[dreg:$0x1] =	wrdreg $0xFFFFFFFF  }
0xc8: {  	_ =	task.clear_ibuf [dreg:s7], $0x2FFFF;
	_ =	strace $0x9FFFFFFF  }
0xc9: {  	(tm) =	ssettm $0x7FFFFFFF  }
tec
execute0_lowered:
.L_overlay_start_1:
0x0: {  	(tag) =	ssettag $0x1  }
0x1: {  	s6 =	rddreg [dreg:$0x0]  }
0x2: {  	s1 =	rddreg [dreg:$0x1]  }
0x3: {  	s2 =	rddreg [dreg:$0x2]  }
0x4: {  	s0 =	rddreg [dreg:$0x3];
	s4 =	simm.s32 $0x0;
	s3 =	srdreg.scid  }
0x5: {  	s14 =	simm.s32 $0x50;
	s15 =	simm.s32 $0x8000;
	s16 =	simm.s32 $0x1  }
0x6: {  	s17 =	simm.s32 $0x0;
	[smem:$0x7FF] =	sst s4;
	s7 =	sand.u32 $0x1, s3  }
0x7: {  	s3 =	stileid.u32;
	s5 =	sadd.s32 $0x26400, s6;
	s8 =	smul.u32 $0x13C000, s7  }
0x8: {  	_ =	strace $0x8000004D;
	s9 =	smul.u32 $0x13C00, s3;
	s10 =	sshll.u32 s7, $0xF  }
0x9: {  	s11 =	sshll.u32 s3, $0xB;
	s26 =	smul.u32 $0x4E200, s3;
	s7 =	ssub.s32 $0x2, s7  }
0xa: {  	s31 =	sshll.u32 s3, $0x6;
	s10 =	sor.u32 s11, s10;
	s29 =	sshrl.u32 s7, $0x1  }
0xb: {  	s8 =	sadd.s32 s9, s8;
	s10 =	sadd.s32 s10, s6;
	s30 =	sshrl.u32 s26, $0x2  }
0xc: {  	s12 =	ssub.s32 s7, s29;
	s8 =	sshrl.u32 s8, $0x3;
	s13 =	sadd.s32 s30, s2  }
0xd: {  	s7 =	sadd.s32 $0x6400, s10;
	s28 =	sadd.s32 s8, s6;
	s6 =	sor.u32 $0x1C02, s31  }
0xe: {  	s8 =	sadd.s32 $0x16400, s10;
	s10 =	smax.u32 s12, $0x1;
	s11 =	sshrl.u32 s13, $0x3  }
0xf: {  	s12 =	simm.s32 $0x2;
	s13 =	simm.s32 $0x4000;
	s9 =	sadd.s32 $0xC3600, s28  }
.LBB2_1:
0x10: {  	[spmem:s11], [sflag:s6] =	dma.local [hbm:s1], $0x2710  }
0x11: {  	_ =	swait.ge [sflag:s12], $0x2710  }
0x12: {  	[sflag:s12] =	ssyncset.done $0x0  }
0x13: {  	[sflag:s12] =	ssyncadd.s32 $0xFFFFD8F0  }
0x14: {  	[bflag:$0x0] =	sbarrier.arrive $0xFFFF  }
0x15: {  	[tilespmem:s4], [sflag:$0x2] =	stream.linear.gather [hbm4b:s7+s4], $0x3E80, $0x38;
	[tilespmem:$0x1E080] =	vst v63  }
0x16: {  	_ =	swait.ge [sflag:s12], $0x3E80  }
0x17: {  	[sflag:s12] =	ssyncset.done $0x0  }
0x18: {  	[sflag:s12] =	ssyncadd.s32 $0xFFFFC180  }
0x19: {  	[tilespmem:s13], [sflag:$0x2] =	stream.linear.gather [hbm4b:s8+s4], $0x3E80, $0x38;
	[tilespmem:$0x1E080] =	vst v63  }
0x1a: {  	_ =	swait.ge [sflag:s12], $0x3E80  }
0x1b: {  	[sflag:s12] =	ssyncset.done $0x0  }
0x1c: {  	s18 =	simm.s32 $0x0;
	[sflag:s12] =	ssyncadd.s32 $0xFFFFC180  }
0x1d: {  	[tilespmem:s15], [sflag:$0x1] =	stream.indirect.gather [hbm4b:s5+s14], $0x80, s18, s14, $0xb8;
	[tilespmem:$0x1E080] =	vst v63  }
0x1e: {  	_ =	swait.ge [sflag:s16], $0x2800  }
0x1f: {  	[sflag:s16] =	ssyncset.done $0x0  }
0x20: {  	s31 =	simm.s32 $0x4000;
	[sflag:s16] =	ssyncadd.s32 $0xFFFFD800  }
0x21: {  	[spmem:s2] =	stream.indirect.scatter.add.f32 [tilespmem:s15], [sflag:$0x2], $0x80, s31, s14, $0xb8;
	[tilespmem:$0x1E080] =	vst v63  }
0x22: {  	_ =	swait.ge [sflag:s12], $0x2800  }
0x23: {  	s19 =	simm.s32 $0x400;
	s18 =	simm.s32 $0x200;
	[sflag:s12] =	ssyncset.done $0x0  }
.LBB2_2:
0x24: {  	s20 =	sshra.s32 s18, $0x2  }
0x25: {  	[sflag:s12] =	ssyncadd.s32 $0xFFFFD800;
	s18 =	smov.u32 s19;
	s21 =	sadd.s32 $0x200, s19  }
0x26: {  	[tilespmem:s15], [sflag:$0x1] =	stream.indirect.gather [hbm4b:s5+s14], $0x80, s20, s14, $0xb8;
	[tilespmem:$0x1E080] =	vst v63  }
0x27: {  	p0 =	sne.s32 s19, $0xF800;
	_ =	swait.ge [sflag:s16], $0x2800  }
.Ltmp0:
0x28: {  	[sflag:s16] =	ssyncset.done $0x0;
	(pc) =	sbr.rel @p0 .LBB2_2-.Ltmp0, $4  }
0x29: {  	s19 =	sadd.s32 $0x4000, s20;
	[sflag:s16] =	ssyncadd.s32 $0xFFFFD800  }
0x2a: {  	[spmem:s2] =	stream.indirect.scatter.add.f32 [tilespmem:s15], [sflag:$0x2], $0x80, s19, s14, $0xb8;
	[tilespmem:$0x1E080] =	vst v63  }
0x2b: {  	_ =	swait.ge [sflag:s12], $0x2800  }
0x2c: {  	s19 =	smov.u32 s21;
	[sflag:s12] =	ssyncset.done $0x0  }
0x2d: {  	s18 =	sshra.s32 s18, $0x2;
	[sflag:s12] =	ssyncadd.s32 $0xFFFFD800  }
0x2e: {  	[tilespmem:s15], [sflag:$0x1] =	stream.indirect.gather [hbm4b:s5+s14], $0x80, s18, s14, $0xb8;
	[tilespmem:$0x1E080] =	vst v63  }
0x2f: {  	_ =	swait.ge [sflag:s16], $0x2800  }
0x30: {  	[sflag:s16] =	ssyncset.done $0x0  }
0x31: {  	s18 =	sadd.s32 $0x4000, s18;
	[sflag:s16] =	ssyncadd.s32 $0xFFFFD800  }
0x32: {  	[spmem:s2] =	stream.indirect.scatter.add.f32 [tilespmem:s15], [sflag:$0x2], $0x80, s18, s14, $0xb8;
	[tilespmem:$0x1E080] =	vst v63  }
0x33: {  	_ =	swait.ge [sflag:s12], $0x2800  }
0x34: {  	s17 =	sadd.s32 $0x1, s17;
	[sflag:s12] =	ssyncset.done $0x0  }
0x35: {  	p0 =	sne.s32 s17, s10;
	[sflag:s12] =	ssyncadd.s32 $0xFFFFD800  }
.Ltmp1:
0x36: {  	[bflag:$0x0] =	sbarrier.arrive $0xFFFF;
	(pc) =	sbr.rel @p0 .LBB2_1-.Ltmp1, $4  }
0x37: {  	[hbm:s9], [sflag:s6] =	dma.local [spmem:s11], $0x2710  }
0x38: {  	_ =	swait.ge [sflag:s12], $0x2710  }
0x39: {  	[sflag:s12] =	ssyncset.done $0x0  }
0x3a: {  	[sflag:s12] =	ssyncadd.s32 $0xFFFFD8F0  }
0x3b: {  	_ =	sfence.sel $0x180000  }
0x3c: {  	[bflag:$0x0] =	sbarrier.arrive $0xFFFF  }
0x3d: {  	p0 =	sne.s32 s3, $0x0;
	_ =	strace $0x9000004D  }
0x3e: {  	s0 =	sadd.s32 @!p0 $0x100000, s0;
	[bflag:$0x2] =	sbarrier.arrive $0xFFFF  }
0x3f: {  	[sflag:s0] =	ssyncadd.tile.s32 @!p0 $0x1;
	_ =	shalt  }
.Lfunc_end2:
_tile_overlayer_lowered:
.L_overlay_start_2:
0x40: {  	(tag) =	ssettag $0x2  }
0x41: {  	s0 =	rddreg [dreg:$0x0];
	s2 =	stileid.u32  }
0x42: {  	s1 =	rddreg [dreg:$0x1];
	p0 =	sne.s32 s2, $0x0  }
0x43: {  	s3 =	rddreg [dreg:$0x2];
	[bflag:$0x3] =	sbarrier.arrive $0xFFFF;
	s2 =	simm.s32 @!p0 $0x1C02  }
0x44: {  	[timem:s3], [sflag:s2] =	dma.local @!p0 [hbm:s0], s1  }
0x45: {  	s0 =	simm.s32 @!p0 $0x2  }
0x46: {  	_ =	swait.ge @!p0 [sflag:s0], s1  }
0x47: {  	s1 =	ssub.s32 @!p0 $0x0, s1;
	[sflag:s0] =	ssyncset.done @!p0 $0x0  }
0x48: {  	[sflag:s0] =	ssyncadd.s32 @!p0 s1  }
0x49: {  	[bflag:$0x3] =	sbarrier.arrive $0xFFFF  }
0x4a: {  	_ =	shalt  }

// kernel: kernel.9.cloned.1.call-start
scs
__scs_entry_jumppad:
0x0: {  	(pc) =	sbr.rel $0x88, $3  }
0x1: {  	(tag) =	ssettag $0x0;
	lr =	simm.s32 $0x1  }
0x2: {  	[smem:$0x3F81] =	sst lr;
	_ =	strace $0xD0000000  }
0x3: {  	_ = 	snop  }
0x4: {  	_ = 	snop  }
0x5: {  	_ = 	snop  }
0x6: {  	_ = 	snop  }
0x7: {  	_ = 	snop  }
__scs_overlays_trampoline_lowered:
0x8: {  	[smem:$0x3F90] =	sst s0  }
0x9: {  	[smem:$0x3F91] =	sst s1  }
0xa: {  	[smem:$0x3F92] =	sst s2  }
0xb: {  	[smem:$0x3F93] =	sst s3  }
0xc: {  	[smem:$0x3F94] =	sst s4  }
0xd: {  	[smem:$0x3F95] =	sst s5  }
0xe: {  	[smem:$0x3F96] =	sst s6  }
0xf: {  	[smem:$0x3F97] =	sst s7  }
0x10: {  	[smem:$0x3F98] =	sst s8  }
0x11: {  	[smem:$0x3F99] =	sst s9;
	s0 =	simm.s32 @!p0 $0x0  }
0x12: {  	s1 =	sld [smem:$0x3F7F];
	s0 =	simm.s32 @p0 $0x1  }
0x13: {  	[smem:$0x3F9A] =	sst s0;
	s0 =	simm.s32 @!p1 $0x0  }
0x14: {  	s2 =	sld [smem:$0x3F7E];
	s0 =	simm.s32 @p1 $0x1  }
0x15: {  	[smem:$0x3F9B] =	sst s0;
	s0 =	simm.s32 @!p2 $0x0  }
0x16: {  	s3 =	sld [smem:$0x3FDB];
	s0 =	simm.s32 @p2 $0x1  }
0x17: {  	s4 =	simm.s32 $0x1BF5;
	[smem:$0x3F9D] =	sst s0  }
0x18: {  	s0 =	sld [smem:$0x3F80];
	_ =	swait.ge [sflag:s4], $0x0  }
0x19: {  	s7 =	sld [smem:$0x3F81]  }
0x1a: {  	s8 =	sadd.s32 $0xFFFFE003, lr  }
0x1b: {  	s9 =	sadd.s32 $0xFFFFFEF7, lr;
	s5 =	simm.s32 $0xFFFFFFFF;
	p2 =	slt.u32 s8, $0xFFFFF086  }
0x1c: {  	p1 =	slt.u32 s9, $0xF7A;
	s5 =	simm.s32 @!p2 $0x0  }
0x1d: {  	s5 =	simm.s32 @p1 $0x1;
	p0 =	seq.s32 s7, s2  }
0x1e: {  	s7 =	smul.u32 @!p0 $0xF7A, s2;
	p2 =	seq.s32 @!p0 s5, $0x0  }
0x1f: {  	s9 =	smul.u32 $0xF7A, s1;
	s8 =	simm.s32 @!p0 $0x1BF5;
	p2 =	por !p2, p0  }
0x20: {  	[sflag:s8] =	ssyncset.s32 @!p0 $0xFFFFF086;
	s6 =	sadd.s32 @!p0 s3, s7;
	s7 =	simm.s32 @!p0 $0x108  }
0x21: {  	s3 =	sadd.s32 s3, s9;
	s6 =	sadd.s32 @!p0 $0x88, s6;
	s7 =	simm.s32 @p2 $0x1082  }
0x22: {  	[simem:s7], [sflag:s8] =	dma.local @!p0 [hbm:s6], $0xF7A  }
0x23: {  	s9 =	sor.u32 $0xD0000000, s2;
	s6 =	simm.s32 $0x108;
	_ =	swait.ge @!p0 [sflag:s8], $0x0  }
0x24: {  	s3 =	sadd.s32 $0x88, s3;
	s6 =	simm.s32 @!p1 $0x1082;
	[sflag:s4] =	ssyncset.s32 $0xFFFFF086  }
0x25: {  	[simem:s6], [sflag:s4] =	dma.local [hbm:s3], $0xF7A  }
0x26: {  	[smem:$0x3F81] =	sst s1;
	(tag) =	ssettag s2;
	_ =	strace s9  }
0x27: {  	s1 =	sld [smem:$0x3F91]  }
0x28: {  	s2 =	sld [smem:$0x3F92]  }
0x29: {  	s4 =	sld [smem:$0x3F94]  }
0x2a: {  	p0 =	seq.s32 s5, $0x0;
	s5 =	sld [smem:$0x3F95]  }
0x2b: {  	s6 =	sld [smem:$0x3F96]  }
0x2c: {  	s7 =	sld [smem:$0x3F97]  }
0x2d: {  	s3 =	simm.s32 $0x108;
	s8 =	sld [smem:$0x3F98]  }
0x2e: {  	s3 =	simm.s32 @!p0 $0x1082;
	s9 =	sld [smem:$0x3F99]  }
0x2f: {  	lr =	sadd.s32 s0, s3;
	s0 =	sld [smem:$0x3F90]  }
0x30: {  	s3 =	sld [smem:$0x3F93]  }
0x31: {  	[smem:$0x3F9C] =	sst s10  }
0x32: {  	s10 =	sld [smem:$0x3F9A];
	_ =	sdelay $0x3  }
0x33: {  	p0 =	seq.s32 s10, $0x1;
	s10 =	sld [smem:$0x3F9C];
	_ =	sdelay $0x3  }
0x34: {  	[smem:$0x3F9C] =	sst s10  }
0x35: {  	s10 =	sld [smem:$0x3F9B];
	_ =	sdelay $0x3  }
0x36: {  	p1 =	seq.s32 s10, $0x1;
	s10 =	sld [smem:$0x3F9C];
	_ =	sdelay $0x3  }
0x37: {  	[smem:$0x3F9C] =	sst s10  }
0x38: {  	s10 =	sld [smem:$0x3F9D]  }
0x39: {  	_ = 	snop;
	(pc) =	sbr.ind lr, $3  }
0x3a: {  	_ = 	snop  }
0x3b: {  	_ = 	snop  }
0x3c: {  	p2 =	seq.s32 s10, $0x1;
	s10 =	sld [smem:$0x3F9C]  }
0x3d: {  	_ =	shalt  }
0x3e: {  	_ =	shalt  }
0x3f: {  	_ =	shalt  }
0x40: {  	_ =	shalt  }
0x41: {  	_ =	shalt  }
0x42: {  	_ =	shalt  }
0x43: {  	_ =	shalt  }
0x44: {  	_ =	shalt  }
0x45: {  	_ =	shalt  }
0x46: {  	_ =	shalt  }
0x47: {  	_ =	shalt  }
0x48: {  	_ =	shalt  }
0x49: {  	_ =	shalt  }
0x4a: {  	_ =	shalt  }
0x4b: {  	_ =	shalt  }
0x4c: {  	_ =	shalt  }
0x4d: {  	_ =	shalt  }
0x4e: {  	_ =	shalt  }
0x4f: {  	_ =	shalt  }
0x50: {  	_ =	shalt  }
0x51: {  	_ =	shalt  }
0x52: {  	_ =	shalt  }
0x53: {  	_ =	shalt  }
0x54: {  	_ =	shalt  }
0x55: {  	_ =	shalt  }
0x56: {  	_ =	shalt  }
0x57: {  	_ =	shalt  }
0x58: {  	_ =	shalt  }
0x59: {  	_ =	shalt  }
0x5a: {  	_ =	shalt  }
0x5b: {  	_ =	shalt  }
0x5c: {  	_ =	shalt  }
0x5d: {  	_ =	shalt  }
0x5e: {  	_ =	shalt  }
0x5f: {  	_ =	shalt  }
0x60: {  	_ =	shalt  }
0x61: {  	_ =	shalt  }
0x62: {  	_ =	shalt  }
0x63: {  	_ =	shalt  }
0x64: {  	_ =	shalt  }
0x65: {  	_ =	shalt  }
0x66: {  	_ =	shalt  }
0x67: {  	_ =	shalt  }
0x68: {  	_ =	shalt  }
0x69: {  	_ =	shalt  }
0x6a: {  	_ =	shalt  }
0x6b: {  	_ =	shalt  }
0x6c: {  	_ =	shalt  }
0x6d: {  	_ =	shalt  }
0x6e: {  	_ =	shalt  }
0x6f: {  	_ =	shalt  }
0x70: {  	_ =	shalt  }
0x71: {  	_ =	shalt  }
0x72: {  	_ =	shalt  }
0x73: {  	_ =	shalt  }
0x74: {  	_ =	shalt  }
0x75: {  	_ =	shalt  }
0x76: {  	_ =	shalt  }
0x77: {  	_ =	shalt  }
0x78: {  	_ =	shalt  }
0x79: {  	_ =	shalt  }
0x7a: {  	_ =	shalt  }
0x7b: {  	_ =	shalt  }
0x7c: {  	_ =	shalt  }
0x7d: {  	_ =	shalt  }
0x7e: {  	_ =	shalt  }
0x7f: {  	_ =	shalt  }
0x80: {  	_ =	shalt  }
0x81: {  	_ =	shalt  }
0x82: {  	_ =	shalt  }
0x83: {  	_ =	shalt  }
0x84: {  	_ =	shalt  }
0x85: {  	_ =	shalt  }
0x86: {  	_ =	shalt  }
0x87: {  	_ =	shalt  }
.Lfunc_end0:
.L_simem_size_0:
called_computation_lowered:
.L_overlay_start_0:
0x88: {  	s2 =	sld [smem:$0x3FD9]  }
0x89: {  	s3 =	sld [smem:$0x3FFE];
	_ =	sdelay $0x1  }
0x8a: {  	s1 =	srdreg.scid  }
0x8b: {  	s0 =	sand.u32 $0x1, s1  }
0x8c: {  	s14 =	sshll.u32 s0, $0xA;
	s2 =	sadd.s32 s3, s2  }
0x8d: {  	s2 =	sadd.s32 s2, s14  }
0x8e: {  	[smem:$0x3FA8] =	sst s2  }
0x8f: {  	_ = 	snop  }
0x90: {  	s2 =	sld [smem:$0x3FD0];
	_ =	sdelay $0x2  }
0x91: {  	s4 =	simm.s32 $0xA;
	s5 =	simm.s32 $0x10;
	s15 =	sld [smem:$0x3FC9]  }
0x92: {  	[smem:s5], [sflag:s4] =	dma.local [hbm:s2], $0x1  }
0x93: {  	_ =	swait.eq [sflag:s4], $0x1  }
0x94: {  	s16 =	sld [smem:$0x10];
	[sflag:s4] =	ssyncset.done $0x0  }
0x95: {  	s17 =	sld [smem:$0x11];
	[sflag:s4] =	ssyncadd.s32 $0xFFFFFFFF  }
0x96: {  	s18 =	sld [smem:$0x12];
	(tm) =	ssettm $0x1  }
0x97: {  	s6 =	sld [smem:$0x3FFB];
	_ =	sdelay $0x3  }
0x98: {  	_ =	strace s6  }
0x99: {  	s6 =	sld [smem:$0x3FFC];
	_ =	sdelay $0x3  }
0x9a: {  	_ =	strace s6  }
0x9b: {  	s6 =	sld [smem:$0x3FFD];
	_ =	sdelay $0x3  }
0x9c: {  	_ =	strace s6  }
0x9d: {  	_ =	strace $0x8FFFFFFF  }
0x9e: {  	s19 =	sld [smem:$0x3FDB];
	_ =	sdelay $0x1  }
0x9f: {  	s7 =	simm.s32 $_scs_section_size  }
0xa0: {  	s8 =	simm.s32 $_size__tile_overlayer_lowered;
	s9 =	simm.s32 $_tile_overlayer_lowered  }
0xa1: {  	s22 =	simm.s32 $0x1BFF;
	s21 =	sshll.u32 s9, $0x1;
	s6 =	sadd.s32 s7, s19  }
0xa2: {  	s10 =	simm.s32 $0x0;
	s20 =	sshll.u32 s8, $0x1;
	s8 =	sadd.s32 s21, s6  }
0xa3: {  	[timem:s10], [sflag:s22] =	dma.local [hbm:s8], s20  }
0xa4: {  	_ =	swait.ge [sflag:s22], s20  }
0xa5: {  	s7 =	ssub.s32 $0x0, s20;
	[sflag:s22] =	ssyncset.done $0x0  }
0xa6: {  	[sflag:s22] =	ssyncadd.s32 s7;
	_ =	sdelay $0x1  }
0xa7: {  	s23 =	simm.s32 $0x1B8B  }
0xa8: {  	_ =	swait.ge [sflag:s23], $0x1  }
0xa9: {  	[sflag:s23] =	ssyncset.done $0x0  }
0xaa: {  	s25 =	simm.s32 $0x1B8E;
	s24 =	sld [smem:$0x3FFE];
	[sflag:s23] =	ssyncadd.s32 $0xFFFFFFFF  }
0xab: {  	s26 =	simm.s32 $execute0_lowered;
	[smem:$0x3FD2] =	sst s25  }
0xac: {  	s8 =	sshll.u32 s26, $0x1;
	_ =	strace $0x80000046;
	[dreg:$0x1] =	wrdreg $0xFFFFFFFF  }
0xad: {  	s28 =	simm.s32 $_size_execute0_lowered;
	s6 =	sadd.s32 s6, s8;
	[dreg:$0x0] =	wrdreg $0x0  }
0xae: {  	s8 =	sshll.u32 s28, $0x1;
	[dreg:$0x2] =	wrdreg s6  }
0xaf: {  	[dreg:$0x3] =	wrdreg s8  }
0xb0: {  	[dreg:$0x4] =	wrdreg $0xC0  }
0xb1: {  	_ =	task [dreg:s10], $0x5FFFF  }
0xb2: {  	[dreg:$0x1] =	wrdreg $0xFFFFFFFF  }
0xb3: {  	[dreg:$0x0] =	wrdreg $0x60  }
0xb4: {  	[dreg:$0x2] =	wrdreg s15  }
0xb5: {  	[dreg:$0x3] =	wrdreg s24  }
0xb6: {  	[dreg:$0x4] =	wrdreg s18  }
0xb7: {  	[dreg:$0x5] =	wrdreg s17  }
0xb8: {  	[dreg:$0x6] =	wrdreg s16  }
0xb9: {  	[dreg:$0x7] =	wrdreg $0xA8000  }
0xba: {  	[dreg:$0x8] =	wrdreg $0x1E0800  }
0xbb: {  	[dreg:$0x9] =	wrdreg $0x9  }
0xbc: {  	_ =	task.clear_ibuf [dreg:s10], $0xAFFFF;
	_ =	strace $0x90000046  }
0xbd: {  	s29 =	simm.s32 $0x9;
	_ =	strace $0x80000048  }
0xbe: {  	_ =	swait.ge [sflag:s29], $0x1  }
0xbf: {  	[sflag:s29] =	ssyncadd.s32 $0xFFFFFFFF  }
0xc0: {  	_ =	strace $0x90000048  }
0xc1: {  	_ =	sfence  }
0xc2: {  	s30 =	sld [smem:$0x0];
	_ =	sdelay $0x2  }
0xc3: {  	s31 =	sshll.u32 s1, $0xD;
	s1 =	sshrl.u32 s1, $0x2  }
0xc4: {  	s3 =	sand.u32 $0x4000, s31;
	s1 =	sadd.s32 s1, s30  }
0xc5: {  	s0 =	sor.u32 s3, s0;
	s1 =	sshll.u32 s1, $0x11  }
0xc6: {  	s0 =	sor.u32 s1, s0  }
0xc7: {  	s0 =	sadd.s32 $0x8F2B, s0  }
0xc8: {  	[sflag:s0] =	ssyncadd.remote.s32 $0x1  }
0xc9: {  	_ =	sfence.sel $0xFFFF  }
0xca: {  	[dreg:$0x0] =	wrdreg $0xFFFFFFFF;
	(pc) =	sbr.abs _section_cstart, $3  }
0xcb: {  	[dreg:$0x1] =	wrdreg $0xFFFFFFFF  }
0xcc: {  	_ =	task.clear_ibuf [dreg:s10], $0x2FFFF;
	_ =	strace $0x9FFFFFFF  }
0xcd: {  	(tm) =	ssettm $0x7FFFFFFF  }
tec
execute0_lowered:
.L_overlay_start_1:
0x0: {  	(tag) =	ssettag $0x1  }
0x1: {  	s0 =	rddreg [dreg:$0x0]  }
0x2: {  	s8 =	rddreg [dreg:$0x1]  }
0x3: {  	s2 =	rddreg [dreg:$0x2]  }
0x4: {  	s3 =	rddreg [dreg:$0x3]  }
0x5: {  	s11 =	rddreg [dreg:$0x4]  }
0x6: {  	s4 =	rddreg [dreg:$0x5]  }
0x7: {  	s6 =	rddreg [dreg:$0x6]  }
0x8: {  	s1 =	rddreg [dreg:$0x7]  }
0x9: {  	s9 =	srdreg.scid;
	s7 =	simm.s32 $0x0;
	s5 =	stileid.u32  }
0xa: {  	s19 =	simm.s32 $0x8000;
	s20 =	simm.s32 $0x1;
	s22 =	smul.u32 $0x13C00, s5  }
0xb: {  	s21 =	simm.s32 $0x0;
	s12 =	sand.u32 $0x1, s9;
	s25 =	smul.u32 $0x4E200, s5  }
0xc: {  	s10 =	sshll.u32 s5, $0xB;
	[smem:$0x7FF] =	sst s7;
	s16 =	smul.u32 $0x1F40, s5  }
0xd: {  	s28 =	sshll.u32 s5, $0x6;
	s30 =	sshll.u32 s5, $0x4;
	p0 =	sgt.u32 s5, $0x4  }
0xe: {  	s9 =	sshll.u32 s12, $0xF;
	s13 =	smul.u32 $0x13C000, s12;
	_ =	strace $0x80000047  }
0xf: {  	s24 =	ssub.s32 $0x2, s12;
	s31 =	sshll.u32 s12, $0xB;
	s9 =	sor.u32 s10, s9  }
0x10: {  	s15 =	sshrl.u32 s24, $0x1;
	s26 =	sshrl.u32 s25, $0x2;
	s29 =	sshrl.u32 s16, $0x2  }
0x11: {  	s16 =	simm.s32 $0x2;
	s14 =	sadd.s32 s9, s8;
	s23 =	sadd.s32 s22, s13  }
0x12: {  	s15 =	ssub.s32 s24, s15;
	s18 =	sadd.s32 s26, s4;
	s13 =	sadd.s32 s11, s30  }
0x13: {  	s9 =	sshrl.u32 s23, $0x3;
	s10 =	sadd.s32 $0x6400, s14;
	s11 =	sadd.s32 $0x16400, s14  }
0x14: {  	s13 =	sadd.s32 s31, s13;
	s14 =	smax.u32 s15, $0x1;
	s15 =	sshrl.u32 s18, $0x3  }
0x15: {  	s18 =	simm.s32 $0x50;
	s17 =	sadd.s32 s9, s8;
	s8 =	sor.u32 $0x1C02, s28  }
0x16: {  	v0 =	vimm.f32 $1.000000000e+00;
	s9 =	sadd.s32 s29, s6;
	s12 =	sadd.s32 $0x26400, s17;
	s17 =	simm.s32 $0x4000  }
.LBB2_1:
0x17: {  	[spmem:s15], [sflag:s8] =	dma.local [hbm:s2], $0x2710  }
0x18: {  	_ =	swait.ge [sflag:s16], $0x2710  }
0x19: {  	[sflag:s16] =	ssyncset.done $0x0  }
0x1a: {  	s22 =	simm.s32 @!p0 $0x0;
	s23 =	simm.s32 @!p0 $0x1E2F8;
	[sflag:s16] =	ssyncadd.s32 $0xFFFFD8F0  }
0x1b: {  	[tilespmem:s23], [sflag:$0x2] =	stream.linear.gather @!p0 [hbm4b:s3+s22], $0x800, $0x38;
	[tilespmem:$0x1EAF8] =	vst v63  }
0x1c: {  	s22 =	simm.s32 @!p0 $0x2  }
0x1d: {  	_ =	swait.ge @!p0 [sflag:s22], $0x800  }
0x1e: {  	[sflag:s22] =	ssyncset.done @!p0 $0x0  }
0x1f: {  	[sflag:s22] =	ssyncadd.s32 @!p0 $0xFFFFF800  }
0x20: {  	[spmem:s9] =	stream.linear.scatter @!p0 [tilespmem:s23], [sflag:$0x2], $0x7D0, $0x38;
	[tilespmem:$0x1EAF8] =	vst v63  }
0x21: {  	_ =	swait.ge @!p0 [sflag:s22], $0x7D0  }
0x22: {  	[sflag:s22] =	ssyncset.done @!p0 $0x0  }
0x23: {  	[sflag:s22] =	ssyncadd.s32 @!p0 $0xFFFFF830  }
0x24: {  	[bflag:$0x0] =	sbarrier.arrive $0xFFFF  }
0x25: {  	[tilespmem:s7], [sflag:$0x2] =	stream.linear.gather [hbm4b:s10+s7], $0x3E80, $0x38;
	[tilespmem:$0x1EAF8] =	vst v63  }
0x26: {  	_ =	swait.ge [sflag:s16], $0x3E80  }
0x27: {  	[sflag:s16] =	ssyncset.done $0x0  }
0x28: {  	[sflag:s16] =	ssyncadd.s32 $0xFFFFC180  }
0x29: {  	[tilespmem:s17], [sflag:$0x2] =	stream.linear.gather [hbm4b:s11+s7], $0x3E80, $0x38;
	[tilespmem:$0x1EAF8] =	vst v63  }
0x2a: {  	_ =	swait.ge [sflag:s16], $0x3E80  }
0x2b: {  	[sflag:s16] =	ssyncset.done $0x0  }
0x2c: {  	[sflag:s16] =	ssyncadd.s32 $0xFFFFC180  }
0x2d: {  	[tilespmem:$0x8000] =	vst v0  }
0x2e: {  	[tilespmem:$0x8010] =	vst v0  }
0x2f: {  	[tilespmem:$0x8020] =	vst v0  }
0x30: {  	[tilespmem:$0x8030] =	vst v0  }
0x31: {  	s31 =	simm.s32 $0x4000;
	[tilespmem:$0x8040] =	vst v0  }
0x32: {  	[spmem:s6] =	stream.indirect.scatter.add.f32 [tilespmem:s19], [sflag:$0x2], $0x1, s31, s18, $0xb8;
	[tilespmem:$0x1EAF8] =	vst v63  }
0x33: {  	s22 =	simm.s32 $0x200;
	_ =	swait.ge [sflag:s16], $0x50  }
.LBB2_2:
0x34: {  	s23 =	sshra.s32 s22, $0x2;
	[sflag:s16] =	ssyncset.done $0x0;
	p1 =	sne.s32 s22, $0xF800  }
.Ltmp0:
0x35: {  	s23 =	sadd.s32 $0x4000, s23;
	[sflag:s16] =	ssyncadd.s32 $0xFFFFFFB0;
	(pc) =	sbr.rel @p1 .LBB2_2-.Ltmp0, $3  }
0x36: {  	[spmem:s6] =	stream.indirect.scatter.add.f32 [tilespmem:s19], [sflag:$0x2], $0x1, s23, s18, $0xb8;
	[tilespmem:$0x1EAF8] =	vst v63  }
0x37: {  	s22 =	sadd.s32 $0x200, s22;
	_ =	sdelay $0x1  }
0x38: {  	_ =	swait.ge [sflag:s16], $0x50  }
0x39: {  	[sflag:s16] =	ssyncset.done $0x0  }
0x3a: {  	s22 =	simm.s32 $0x0;
	[sflag:s16] =	ssyncadd.s32 $0xFFFFFFB0  }
0x3b: {  	[tilespmem:s19], [sflag:$0x1] =	stream.indirect.gather [hbm4b:s0+s18], $0x80, s22, s18, $0xb8;
	[tilespmem:$0x1EAF8] =	vst v63  }
0x3c: {  	_ =	swait.ge [sflag:s20], $0x2800  }
0x3d: {  	[sflag:s20] =	ssyncset.done $0x0  }
0x3e: {  	s31 =	simm.s32 $0x4000;
	[sflag:s20] =	ssyncadd.s32 $0xFFFFD800  }
0x3f: {  	[spmem:s4] =	stream.indirect.scatter.add.f32 [tilespmem:s19], [sflag:$0x2], $0x80, s31, s18, $0xb8;
	[tilespmem:$0x1EAF8] =	vst v63  }
0x40: {  	_ =	swait.ge [sflag:s16], $0x2800  }
0x41: {  	s23 =	simm.s32 $0x400;
	s22 =	simm.s32 $0x200;
	[sflag:s16] =	ssyncset.done $0x0  }
.LBB2_4:
0x42: {  	s24 =	sshra.s32 s22, $0x2  }
0x43: {  	[sflag:s16] =	ssyncadd.s32 $0xFFFFD800;
	s22 =	smov.u32 s23;
	s25 =	sadd.s32 $0x200, s23  }
0x44: {  	[tilespmem:s19], [sflag:$0x1] =	stream.indirect.gather [hbm4b:s0+s18], $0x80, s24, s18, $0xb8;
	[tilespmem:$0x1EAF8] =	vst v63  }
0x45: {  	p1 =	sne.s32 s23, $0xF800;
	_ =	swait.ge [sflag:s20], $0x2800  }
.Ltmp1:
0x46: {  	[sflag:s20] =	ssyncset.done $0x0;
	(pc) =	sbr.rel @p1 .LBB2_4-.Ltmp1, $4  }
0x47: {  	s23 =	sadd.s32 $0x4000, s24;
	[sflag:s20] =	ssyncadd.s32 $0xFFFFD800  }
0x48: {  	[spmem:s4] =	stream.indirect.scatter.add.f32 [tilespmem:s19], [sflag:$0x2], $0x80, s23, s18, $0xb8;
	[tilespmem:$0x1EAF8] =	vst v63  }
0x49: {  	_ =	swait.ge [sflag:s16], $0x2800  }
0x4a: {  	s23 =	smov.u32 s25;
	[sflag:s16] =	ssyncset.done $0x0  }
0x4b: {  	s22 =	sshra.s32 s22, $0x2;
	[sflag:s16] =	ssyncadd.s32 $0xFFFFD800  }
0x4c: {  	[tilespmem:s19], [sflag:$0x1] =	stream.indirect.gather [hbm4b:s0+s18], $0x80, s22, s18, $0xb8;
	[tilespmem:$0x1EAF8] =	vst v63  }
0x4d: {  	_ =	swait.ge [sflag:s20], $0x2800  }
0x4e: {  	[sflag:s20] =	ssyncset.done $0x0  }
0x4f: {  	s22 =	sadd.s32 $0x4000, s22;
	[sflag:s20] =	ssyncadd.s32 $0xFFFFD800  }
0x50: {  	[spmem:s4] =	stream.indirect.scatter.add.f32 [tilespmem:s19], [sflag:$0x2], $0x80, s22, s18, $0xb8;
	[tilespmem:$0x1EAF8] =	vst v63  }
0x51: {  	_ =	swait.ge [sflag:s16], $0x2800  }
0x52: {  	[sflag:s16] =	ssyncset.done $0x0  }
0x53: {  	[sflag:s16] =	ssyncadd.s32 $0xFFFFD800  }
0x54: {  	[bflag:$0x0] =	sbarrier.arrive $0xFFFF  }
0x55: {  	[hbm:s12], [sflag:s8] =	dma.local [spmem:s15], $0x2710  }
0x56: {  	_ =	swait.ge [sflag:s16], $0x2710  }
0x57: {  	[sflag:s16] =	ssyncset.done $0x0  }
0x58: {  	s23 =	simm.s32 @!p0 $0x2;
	s22 =	simm.s32 @!p0 $0x1E2F8;
	[sflag:s16] =	ssyncadd.s32 $0xFFFFD8F0  }
0x59: {  	[tilespmem:s22], [sflag:$0x2] =	stream.linear.gather @!p0 [spmem:s9], $0x7D0, $0x38;
	[tilespmem:$0x1EAF8] =	vst v63  }
0x5a: {  	s21 =	sadd.s32 $0x1, s21;
	_ =	swait.ge @!p0 [sflag:s23], $0x7D0  }
0x5b: {  	s24 =	simm.s32 @!p0 $0x80;
	p1 =	sne.s32 s21, s14;
	[sflag:s23] =	ssyncset.done @!p0 $0x0  }
.Ltmp2:
0x5c: {  	s25 =	simm.s32 @!p0 $0x400;
	[sflag:s23] =	ssyncadd.s32 @!p0 $0xFFFFF830;
	(pc) =	sbr.rel @p1 .LBB2_1-.Ltmp2, $4  }
0x5d: {  	[hbm4b:s13+s24] =	stream.strided.scatter @!p0 [tilespmem:s22], [sflag:$0x2], $0x800, s25, s24, $0x38;
	[tilespmem:$0x1EAF8] =	vst v63  }
0x5e: {  	_ =	swait.ge @!p0 [sflag:s23], $0x800  }
0x5f: {  	[sflag:s23] =	ssyncset.done @!p0 $0x0  }
0x60: {  	[sflag:s23] =	ssyncadd.s32 @!p0 $0xFFFFF800  }
0x61: {  	_ =	sfence.sel $0x180000  }
0x62: {  	[bflag:$0x0] =	sbarrier.arrive $0xFFFF  }
0x63: {  	p0 =	sne.s32 s5, $0x0;
	_ =	strace $0x90000047  }
0x64: {  	s0 =	sadd.s32 @!p0 $0x100000, s1;
	[bflag:$0x2] =	sbarrier.arrive $0xFFFF  }
0x65: {  	[sflag:s0] =	ssyncadd.tile.s32 @!p0 $0x1;
	_ =	shalt  }
.Lfunc_end2:
_tile_overlayer_lowered:
.L_overlay_start_2:
0x66: {  	(tag) =	ssettag $0x2  }
0x67: {  	s0 =	rddreg [dreg:$0x0];
	s2 =	stileid.u32  }
0x68: {  	s1 =	rddreg [dreg:$0x1];
	p0 =	sne.s32 s2, $0x0  }
0x69: {  	s3 =	rddreg [dreg:$0x2];
	[bflag:$0x3] =	sbarrier.arrive $0xFFFF;
	s2 =	simm.s32 @!p0 $0x1C02  }
0x6a: {  	[timem:s3], [sflag:s2] =	dma.local @!p0 [hbm:s0], s1  }
0x6b: {  	s0 =	simm.s32 @!p0 $0x2  }
0x6c: {  	_ =	swait.ge @!p0 [sflag:s0], s1  }
0x6d: {  	s1 =	ssub.s32 @!p0 $0x0, s1;
	[sflag:s0] =	ssyncset.done @!p0 $0x0  }
0x6e: {  	[sflag:s0] =	ssyncadd.s32 @!p0 s1  }
0x6f: {  	[bflag:$0x3] =	sbarrier.arrive $0xFFFF  }
0x70: {  	_ =	shalt  }

</sc_bundles>
